<compile_context>
chip_gen: v7x
topology: tpu7x:2x2x1
jax: 0.10.2.dev20260603
libtpu: 0.0.44.dev20260713+nightly
codegen_flags: <defaults>
</compile_context>

<pallas_src>
import dataclasses
import functools

import jax
import jax.numpy as jnp
from jax import lax
from jax.experimental import pallas as pl
from jax.experimental.pallas import tpu as pltpu
from jax.experimental.pallas import tpu_sc as plsc

_NUM_CORES = 2
_NUM_SUBCORES = 16
_NUM_WORKERS = _NUM_CORES * _NUM_SUBCORES
_WINDOW = 80
_TAIL_PAD = 144


def _exp_split_body(a_ref, d_ref, ea_ref, ed_ref, ta_ref, td_ref):
    ea = jnp.exp(a_ref[:, :128])
    ed = jnp.exp(d_ref[:, :128])
    for r in range(_NUM_WORKERS):
        ea_ref[pl.ds(129 * r, 129), :] = ea
        ed_ref[pl.ds(129 * r, 129), :] = ed
    pad = jnp.zeros((_TAIL_PAD - 129,), jnp.float32)
    ta_ref[...] = jnp.concatenate([jnp.exp(a_ref[:, 128]), pad])
    td_ref[...] = jnp.concatenate([jnp.exp(d_ref[:, 128]), pad])


def _exp_split(log_alpha_w, log_delta_w):
    v = log_alpha_w.shape[0]
    main = jax.ShapeDtypeStruct((v * _NUM_WORKERS, 128), jnp.float32)
    tail = jax.ShapeDtypeStruct((_TAIL_PAD,), jnp.float32)
    return pl.pallas_call(
        _exp_split_body, out_shape=(main, main, tail, tail)
    )(log_alpha_w, log_delta_w)


def _make_gather(n, d, n_per_w):
    mesh = plsc.VectorSubcoreMesh(core_axis_name="c", subcore_axis_name="s")
    out = jax.ShapeDtypeStruct((n, d), jnp.float32)
    cp = pltpu.CompilerParams()
    if "needs_layout_passes" in pltpu.CompilerParams.__dataclass_fields__:
        cp = dataclasses.replace(cp, needs_layout_passes=False)
    nsteps = n_per_w // _WINDOW

    @functools.partial(
        pl.kernel,
        mesh=mesh,
        compiler_params=cp,
        out_type=(out, out),
        scratch_types=[
            pltpu.VMEM((2, _WINDOW), jnp.int32),
            pltpu.VMEM((2, _WINDOW, d), jnp.float32),
            pltpu.VMEM((2, _WINDOW, d), jnp.float32),
            pltpu.VMEM((_TAIL_PAD,), jnp.float32),
            pltpu.VMEM((_TAIL_PAD,), jnp.float32),
            pltpu.SemaphoreType.DMA((2,)),
            pltpu.SemaphoreType.DMA((2,)),
        ],
    )
    def gather_kernel(ea_hbm, ed_hbm, ta_hbm, td_hbm, idx_hbm, oa_hbm, od_hbm,
                      idx_v, ca_v, cd_v, ta_v, td_v, sem_g, sem_w):
        wid = lax.axis_index("s") * _NUM_CORES + lax.axis_index("c")
        base = wid * n_per_w
        rebase = jnp.broadcast_to(wid * 129, (16,)).astype(jnp.int32)
        pltpu.sync_copy(ta_hbm, ta_v)
        pltpu.sync_copy(td_hbm, td_v)
        last_col = jnp.full((16,), d - 1, jnp.int32)

        def fixup_tail(p):
            for k in range(_WINDOW // 16):
                rows = lax.iota(jnp.int32, 16) + (16 * k)
                idxs = idx_v.at[p][pl.ds(16 * k, 16)]
                va = plsc.load_gather(ta_v, [idxs])
                vd = plsc.load_gather(td_v, [idxs])
                plsc.store_scatter(ca_v.at[p], [rows, last_col], va)
                plsc.store_scatter(cd_v.at[p], [rows, last_col], vd)

        @pl.loop(0, nsteps, step=2)
        def _(g0):
            handles = []
            for p in (0, 1):
                g = g0 + p
                start = base + g * _WINDOW

                @pl.when(g >= 2)
                def _():
                    pltpu.make_async_copy(
                        ca_v.at[p], oa_hbm.at[pl.ds(start, _WINDOW)],
                        sem_w.at[p]).wait()
                    pltpu.make_async_copy(
                        cd_v.at[p], od_hbm.at[pl.ds(start, _WINDOW)],
                        sem_w.at[p]).wait()

                pltpu.sync_copy(idx_hbm.at[pl.ds(start, _WINDOW)],
                                idx_v.at[p])
                fixup_tail(p)
                for k in range(_WINDOW // 16):
                    sl = pl.ds(16 * k, 16)
                    idx_v.at[p][sl] = idx_v.at[p][sl] + rebase
                ha = pltpu.async_copy(
                    ea_hbm.at[idx_v.at[p]],
                    ca_v.at[p].at[:, pl.ds(0, d - 1)], sem_g.at[p])
                hd = pltpu.async_copy(
                    ed_hbm.at[idx_v.at[p]],
                    cd_v.at[p].at[:, pl.ds(0, d - 1)], sem_g.at[p])
                handles.append((ha, hd))

            for p in (0, 1):
                g = g0 + p
                start = base + g * _WINDOW
                ha, hd = handles[p]
                ha.wait()
                hd.wait()
                pltpu.async_copy(ca_v.at[p], oa_hbm.at[pl.ds(start, _WINDOW)],
                                 sem_w.at[p])
                pltpu.async_copy(cd_v.at[p], od_hbm.at[pl.ds(start, _WINDOW)],
                                 sem_w.at[p])

        for p in (0, 1):
            start = base + p * _WINDOW
            pltpu.make_async_copy(
                ca_v.at[p], oa_hbm.at[pl.ds(start, _WINDOW)],
                sem_w.at[p]).wait()
            pltpu.make_async_copy(
                cd_v.at[p], od_hbm.at[pl.ds(start, _WINDOW)],
                sem_w.at[p]).wait()

    return gather_kernel


def kernel(events, log_alpha_w, log_delta_w):
    b, s = events.shape
    v, d = log_alpha_w.shape
    n = b * s

    ea, ed, ta, td = _exp_split(log_alpha_w, log_delta_w)
    idx = events.reshape(n).astype(jnp.int32)

    n_per_w = n // _NUM_WORKERS
    oa, od = _make_gather(n, d, n_per_w)(ea, ed, ta, td, idx)
    return oa.reshape(b, s, d), od.reshape(b, s, d)

# --- scband reference (transcript-rebuilt; emitter-appended) ---
"""Pipeline reference for scband-exponential-kernel-66846870995433 (READ-ONLY COPY).

The authoritative reference and input builder live on the scoring server;
editing this copy changes nothing except your own understanding.
"""

import jax, jax.numpy as jnp
import numpy as np

EVENT_DIM = 128
BATCH = 4096
SEQ = 200


def setup_inputs(seed: int = 0) -> dict:
    key = jax.random.key(seed)
    events = jax.random.randint(key, (BATCH, SEQ), 0, EVENT_DIM + 1).astype(jnp.int64)
    # Embedding tables initialized to constant -5.0 per _init_weights
    log_alpha_w = jnp.full((EVENT_DIM + 1, EVENT_DIM + 1), -5.0, dtype=jnp.float32)
    log_delta_w = jnp.full((EVENT_DIM + 1, EVENT_DIM + 1), -5.0, dtype=jnp.float32)
    return {"events": events, "log_alpha_w": log_alpha_w, "log_delta_w": log_delta_w}


def reference(events, log_alpha_w, log_delta_w):
    # embedding lookup -> gather rows, then exp
    alphas = jnp.exp(jnp.take(log_alpha_w, events, axis=0))
    deltas = jnp.exp(jnp.take(log_delta_w, events, axis=0))
    return (alphas, deltas)

if __name__ == "__main__":
    import jax
    _d = setup_inputs()
    print(jax.jit(kernel)(*tuple(_d.values())))

</pallas_src>

<mosaic_0001>
#map = affine_map<(d0, d1) -> (0, 0)>
#map1 = affine_map<(d0, d1) -> (0)>
module attributes {stable_mosaic.version = 14 : i64} {
  func.func @gather_kernel(%arg0: i32, %arg1: i32, %arg2: memref<4128x128xf32, #tpu.memory_space<hbm>>, %arg3: memref<4128x128xf32, #tpu.memory_space<hbm>>, %arg4: memref<144xf32, #tpu.memory_space<hbm>>, %arg5: memref<144xf32, #tpu.memory_space<hbm>>, %arg6: memref<819200xi32, #tpu.memory_space<hbm>>, %arg7: memref<819200x129xf32, #tpu.memory_space<hbm>>, %arg8: memref<819200x129xf32, #tpu.memory_space<hbm>>, %arg9: memref<2x80xi32, #tpu.memory_space<vmem>>, %arg10: memref<2x80x129xf32, #tpu.memory_space<vmem>>, %arg11: memref<2x80x129xf32, #tpu.memory_space<vmem>>, %arg12: memref<144xf32, #tpu.memory_space<vmem>>, %arg13: memref<144xf32, #tpu.memory_space<vmem>>, %arg14: memref<2x!tpu.dma_semaphore, #tpu.memory_space<semaphore_mem>>, %arg15: memref<2x!tpu.dma_semaphore, #tpu.memory_space<semaphore_mem>>) attributes {dimension_semantics = [#tpu.dimension_semantics<core_parallel>, #tpu.dimension_semantics<subcore_parallel>], iteration_bounds = array<i64: 2, 16>, scalar_prefetch = 0 : i64, scratch_operands = 7 : i64, tpu.core_type = #tpu.core_type<sc_vector_subcore>, window_params = [{transform_indices = #map}, {transform_indices = #map}, {transform_indices = #map1}, {transform_indices = #map1}, {transform_indices = #map1}, {transform_indices = #map}, {transform_indices = #map}]} {
    %mul3A = arith.constant 2 : i32
    %mul3A_0 = arith.muli %arg1, %mul3A : i32
    %add3A = arith.addi %mul3A_0, %arg0 : i32
    %mul3A_1 = arith.constant 25600 : i32
    %mul3A_2 = arith.muli %add3A, %mul3A_1 : i32
    %mul3A_3 = arith.constant 129 : i32
    %mul3A_4 = arith.muli %add3A, %mul3A_3 : i32
    %broadcast_in_dim3A = vector.broadcast %mul3A_4 : i32 to vector<16xi32>
    "tpu.region"() ({
      %run_scoped3A = tpu.sem_alloc : memref<!tpu.dma_semaphore, #tpu.memory_space<semaphore_mem>>
      tpu.enqueue_dma source(%arg4 : memref<144xf32, #tpu.memory_space<hbm>>) target(%arg12 : memref<144xf32, #tpu.memory_space<vmem>>) target_semaphore(%run_scoped3A : memref<!tpu.dma_semaphore, #tpu.memory_space<semaphore_mem>>)
      tpu.wait_dma2 semaphore(%run_scoped3A : memref<!tpu.dma_semaphore, #tpu.memory_space<semaphore_mem>>) src(%arg4 : memref<144xf32, #tpu.memory_space<hbm>>) dst(%arg12 : memref<144xf32, #tpu.memory_space<vmem>>)
      tpu.yield
    }) : () -> ()
    "tpu.region"() ({
      %run_scoped3A = tpu.sem_alloc : memref<!tpu.dma_semaphore, #tpu.memory_space<semaphore_mem>>
      tpu.enqueue_dma source(%arg5 : memref<144xf32, #tpu.memory_space<hbm>>) target(%arg13 : memref<144xf32, #tpu.memory_space<vmem>>) target_semaphore(%run_scoped3A : memref<!tpu.dma_semaphore, #tpu.memory_space<semaphore_mem>>)
      tpu.wait_dma2 semaphore(%run_scoped3A : memref<!tpu.dma_semaphore, #tpu.memory_space<semaphore_mem>>) src(%arg5 : memref<144xf32, #tpu.memory_space<hbm>>) dst(%arg13 : memref<144xf32, #tpu.memory_space<vmem>>)
      tpu.yield
    }) : () -> ()
    %broadcast_in_dim3A_5 = arith.constant 128 : i32
    %broadcast_in_dim3A_6 = vector.broadcast %broadcast_in_dim3A_5 : i32 to vector<16xi32>
    %scan3A = arith.constant 0 : i32
    %scan3A_7 = arith.constant 160 : i32
    %scan3A_8 = arith.addi %scan3A, %scan3A_7 : i32
    %scan3A_9 = arith.constant 1 : i32
    scf.for %scan3A_78 = %scan3A to %scan3A_8 step %scan3A_9  : i32 {
      %mul3A_79 = arith.constant 2 : i32
      %mul3A_80 = arith.muli %scan3A_78, %mul3A_79 : i32
      %add3A_81 = arith.constant 0 : i32
      %add3A_82 = arith.addi %add3A_81, %mul3A_80 : i32
      %add3A_83 = arith.constant 0 : i32
      %add3A_84 = arith.addi %add3A_82, %add3A_83 : i32
      %mul3A_85 = arith.constant 80 : i32
      %mul3A_86 = arith.muli %add3A_84, %mul3A_85 : i32
      %add3A_87 = arith.addi %mul3A_2, %mul3A_86 : i32
      %ge3A = arith.constant 2 : i32
      %ge3A_88 = arith.cmpi sge, %add3A_84, %ge3A : i32
      %convert_element_type3A = arith.extui %ge3A_88 : i1 to i32
      %cond3A = arith.constant 0 : i32
      %cond3A_89 = arith.cmpi ne, %convert_element_type3A, %cond3A : i32
      scf.if %cond3A_89 {
        %dma_wait3A_663 = arith.constant 0 : i32
        %dma_wait3A_664 = arith.constant 0 : i32
        %dma_wait3A_665 = arith.constant 0 : i32
        %dma_wait3A_666 = arith.constant 0 : i32
        %dma_wait3A_667 = tpu.memref_slice %arg10[%dma_wait3A_663, %dma_wait3A_665, %dma_wait3A_666] : memref<2x80x129xf32, #tpu.memory_space<vmem>> -> memref<1x80x129xf32, #tpu.memory_space<vmem>>
        %dma_wait3A_668 = tpu.memref_squeeze %dma_wait3A_667 : memref<1x80x129xf32, #tpu.memory_space<vmem>> -> memref<80x129xf32, #tpu.memory_space<vmem>>
        %dma_wait3A_669 = arith.constant 0 : i32
        %dma_wait3A_670 = tpu.memref_slice %arg7[%add3A_87, %dma_wait3A_669] : memref<819200x129xf32, #tpu.memory_space<hbm>> -> memref<80x129xf32, #tpu.memory_space<hbm>>
        %dma_wait3A_671 = tpu.memref_slice %arg15[%dma_wait3A_664] : memref<2x!tpu.dma_semaphore, #tpu.memory_space<semaphore_mem>> -> memref<1x!tpu.dma_semaphore, #tpu.memory_space<semaphore_mem>>
        %dma_wait3A_672 = tpu.memref_squeeze %dma_wait3A_671 : memref<1x!tpu.dma_semaphore, #tpu.memory_space<semaphore_mem>> -> memref<!tpu.dma_semaphore, #tpu.memory_space<semaphore_mem>>
        %dma_wait3A_673 = arith.constant 0 : i32
        %dma_wait3A_674 = tpu.memref_slice %arg7[%add3A_87, %dma_wait3A_673] : memref<819200x129xf32, #tpu.memory_space<hbm>> -> memref<80x129xf32, #tpu.memory_space<hbm>>
        %dma_wait3A_675 = arith.constant 0 : i32
        %dma_wait3A_676 = arith.constant 0 : i32
        %dma_wait3A_677 = tpu.memref_slice %arg10[%dma_wait3A_663, %dma_wait3A_675, %dma_wait3A_676] : memref<2x80x129xf32, #tpu.memory_space<vmem>> -> memref<1x80x129xf32, #tpu.memory_space<vmem>>
        %dma_wait3A_678 = tpu.memref_squeeze %dma_wait3A_677 : memref<1x80x129xf32, #tpu.memory_space<vmem>> -> memref<80x129xf32, #tpu.memory_space<vmem>>
        tpu.wait_dma2 semaphore(%dma_wait3A_672 : memref<!tpu.dma_semaphore, #tpu.memory_space<semaphore_mem>>) src(%dma_wait3A_678 : memref<80x129xf32, #tpu.memory_space<vmem>>) dst(%dma_wait3A_674 : memref<80x129xf32, #tpu.memory_space<hbm>>)
        %dma_wait3A_679 = arith.constant 0 : i32
        %dma_wait3A_680 = arith.constant 0 : i32
        %dma_wait3A_681 = arith.constant 0 : i32
        %dma_wait3A_682 = arith.constant 0 : i32
        %dma_wait3A_683 = tpu.memref_slice %arg11[%dma_wait3A_679, %dma_wait3A_681, %dma_wait3A_682] : memref<2x80x129xf32, #tpu.memory_space<vmem>> -> memref<1x80x129xf32, #tpu.memory_space<vmem>>
        %dma_wait3A_684 = tpu.memref_squeeze %dma_wait3A_683 : memref<1x80x129xf32, #tpu.memory_space<vmem>> -> memref<80x129xf32, #tpu.memory_space<vmem>>
        %dma_wait3A_685 = arith.constant 0 : i32
        %dma_wait3A_686 = tpu.memref_slice %arg8[%add3A_87, %dma_wait3A_685] : memref<819200x129xf32, #tpu.memory_space<hbm>> -> memref<80x129xf32, #tpu.memory_space<hbm>>
        %dma_wait3A_687 = tpu.memref_slice %arg15[%dma_wait3A_680] : memref<2x!tpu.dma_semaphore, #tpu.memory_space<semaphore_mem>> -> memref<1x!tpu.dma_semaphore, #tpu.memory_space<semaphore_mem>>
        %dma_wait3A_688 = tpu.memref_squeeze %dma_wait3A_687 : memref<1x!tpu.dma_semaphore, #tpu.memory_space<semaphore_mem>> -> memref<!tpu.dma_semaphore, #tpu.memory_space<semaphore_mem>>
        %dma_wait3A_689 = arith.constant 0 : i32
        %dma_wait3A_690 = tpu.memref_slice %arg8[%add3A_87, %dma_wait3A_689] : memref<819200x129xf32, #tpu.memory_space<hbm>> -> memref<80x129xf32, #tpu.memory_space<hbm>>
        %dma_wait3A_691 = arith.constant 0 : i32
        %dma_wait3A_692 = arith.constant 0 : i32
        %dma_wait3A_693 = tpu.memref_slice %arg11[%dma_wait3A_679, %dma_wait3A_691, %dma_wait3A_692] : memref<2x80x129xf32, #tpu.memory_space<vmem>> -> memref<1x80x129xf32, #tpu.memory_space<vmem>>
        %dma_wait3A_694 = tpu.memref_squeeze %dma_wait3A_693 : memref<1x80x129xf32, #tpu.memory_space<vmem>> -> memref<80x129xf32, #tpu.memory_space<vmem>>
        tpu.wait_dma2 semaphore(%dma_wait3A_688 : memref<!tpu.dma_semaphore, #tpu.memory_space<semaphore_mem>>) src(%dma_wait3A_694 : memref<80x129xf32, #tpu.memory_space<vmem>>) dst(%dma_wait3A_690 : memref<80x129xf32, #tpu.memory_space<hbm>>)
      } else {
      }
      %run_scoped3A = arith.constant 0 : i32
      "tpu.region"() ({
        %run_scoped3A_663 = tpu.sem_alloc : memref<!tpu.dma_semaphore, #tpu.memory_space<semaphore_mem>>
        %dma_start3A_664 = arith.constant 0 : i32
        %dma_start3A_665 = tpu.memref_slice %arg9[%run_scoped3A, %dma_start3A_664] : memref<2x80xi32, #tpu.memory_space<vmem>> -> memref<1x80xi32, #tpu.memory_space<vmem>>
        %dma_start3A_666 = tpu.memref_squeeze %dma_start3A_665 : memref<1x80xi32, #tpu.memory_space<vmem>> -> memref<80xi32, #tpu.memory_space<vmem>>
        %dma_start3A_667 = tpu.memref_slice %arg6[%add3A_87] : memref<819200xi32, #tpu.memory_space<hbm>> -> memref<80xi32, #tpu.memory_space<hbm>>
        %dma_start3A_668 = arith.constant 0 : i32
        %dma_start3A_669 = tpu.memref_slice %arg9[%run_scoped3A, %dma_start3A_668] : memref<2x80xi32, #tpu.memory_space<vmem>> -> memref<1x80xi32, #tpu.memory_space<vmem>>
        %dma_start3A_670 = tpu.memref_squeeze %dma_start3A_669 : memref<1x80xi32, #tpu.memory_space<vmem>> -> memref<80xi32, #tpu.memory_space<vmem>>
        %dma_start3A_671 = tpu.memref_slice %arg6[%add3A_87] : memref<819200xi32, #tpu.memory_space<hbm>> -> memref<80xi32, #tpu.memory_space<hbm>>
        tpu.enqueue_dma source(%dma_start3A_671 : memref<80xi32, #tpu.memory_space<hbm>>) target(%dma_start3A_670 : memref<80xi32, #tpu.memory_space<vmem>>) target_semaphore(%run_scoped3A_663 : memref<!tpu.dma_semaphore, #tpu.memory_space<semaphore_mem>>)
        %dma_wait3A_672 = arith.constant 0 : i32
        %dma_wait3A_673 = tpu.memref_slice %arg9[%run_scoped3A, %dma_wait3A_672] : memref<2x80xi32, #tpu.memory_space<vmem>> -> memref<1x80xi32, #tpu.memory_space<vmem>>
        %dma_wait3A_674 = tpu.memref_squeeze %dma_wait3A_673 : memref<1x80xi32, #tpu.memory_space<vmem>> -> memref<80xi32, #tpu.memory_space<vmem>>
        %dma_wait3A_675 = tpu.memref_slice %arg6[%add3A_87] : memref<819200xi32, #tpu.memory_space<hbm>> -> memref<80xi32, #tpu.memory_space<hbm>>
        %dma_wait3A_676 = arith.constant 0 : i32
        %dma_wait3A_677 = tpu.memref_slice %arg9[%run_scoped3A, %dma_wait3A_676] : memref<2x80xi32, #tpu.memory_space<vmem>> -> memref<1x80xi32, #tpu.memory_space<vmem>>
        %dma_wait3A_678 = tpu.memref_squeeze %dma_wait3A_677 : memref<1x80xi32, #tpu.memory_space<vmem>> -> memref<80xi32, #tpu.memory_space<vmem>>
        %dma_wait3A_679 = tpu.memref_slice %arg6[%add3A_87] : memref<819200xi32, #tpu.memory_space<hbm>> -> memref<80xi32, #tpu.memory_space<hbm>>
        tpu.wait_dma2 semaphore(%run_scoped3A_663 : memref<!tpu.dma_semaphore, #tpu.memory_space<semaphore_mem>>) src(%dma_wait3A_679 : memref<80xi32, #tpu.memory_space<hbm>>) dst(%dma_wait3A_678 : memref<80xi32, #tpu.memory_space<vmem>>)
        tpu.yield
      }) : () -> ()
      %iota3A = tpu.iota {dimensions = array<i32: 0>} : vector<16xi32>
      %add3A_90 = arith.constant 0 : i32
      %add3A_91 = vector.broadcast %add3A_90 : i32 to vector<16xi32>
      %add3A_92 = arith.addi %iota3A, %add3A_91 : vector<16xi32>
      %get3A = arith.constant 0 : i32
      %get3A_93 = arith.constant 0 : i32
      %get3A_94 = tpu.memref_slice %arg9[%get3A, %get3A_93] : memref<2x80xi32, #tpu.memory_space<vmem>> -> memref<1x80xi32, #tpu.memory_space<vmem>>
      %get3A_95 = tpu.memref_squeeze %get3A_94 : memref<1x80xi32, #tpu.memory_space<vmem>> -> memref<80xi32, #tpu.memory_space<vmem>>
      %get3A_96 = arith.constant 0 : index
      %get3A_97 = tpu.vector_load %get3A_95[%get3A_96] {strides = array<i32>} : memref<80xi32, #tpu.memory_space<vmem>>, vector<16xi32>,
      %gather3A = tpu.vector_load_idx %arg12[%get3A_97] : memref<144xf32, #tpu.memory_space<vmem>>[vector<16xi32>], vector<16xf32>,
      %gather3A_98 = tpu.vector_load_idx %arg13[%get3A_97] : memref<144xf32, #tpu.memory_space<vmem>>[vector<16xi32>], vector<16xf32>,
      %scatter3A = arith.constant 0 : i32
      %scatter3A_99 = arith.constant 0 : i32
      %scatter3A_100 = arith.constant 0 : i32
      %scatter3A_101 = tpu.memref_slice %arg10[%scatter3A, %scatter3A_99, %scatter3A_100] : memref<2x80x129xf32, #tpu.memory_space<vmem>> -> memref<1x80x129xf32, #tpu.memory_space<vmem>>
      %scatter3A_102 = tpu.memref_squeeze %scatter3A_101 : memref<1x80x129xf32, #tpu.memory_space<vmem>> -> memref<80x129xf32, #tpu.memory_space<vmem>>
      tpu.vector_store_idx %scatter3A_102[%add3A_92, %broadcast_in_dim3A_6], %gather3A : memref<80x129xf32, #tpu.memory_space<vmem>>[vector<16xi32>, vector<16xi32>], vector<16xf32>,
      %scatter3A_103 = arith.constant 0 : i32
      %scatter3A_104 = arith.constant 0 : i32
      %scatter3A_105 = arith.constant 0 : i32
      %scatter3A_106 = tpu.memref_slice %arg11[%scatter3A_103, %scatter3A_104, %scatter3A_105] : memref<2x80x129xf32, #tpu.memory_space<vmem>> -> memref<1x80x129xf32, #tpu.memory_space<vmem>>
      %scatter3A_107 = tpu.memref_squeeze %scatter3A_106 : memref<1x80x129xf32, #tpu.memory_space<vmem>> -> memref<80x129xf32, #tpu.memory_space<vmem>>
      tpu.vector_store_idx %scatter3A_107[%add3A_92, %broadcast_in_dim3A_6], %gather3A_98 : memref<80x129xf32, #tpu.memory_space<vmem>>[vector<16xi32>, vector<16xi32>], vector<16xf32>,
      %iota3A_108 = tpu.iota {dimensions = array<i32: 0>} : vector<16xi32>
      %add3A_109 = arith.constant 16 : i32
      %add3A_110 = vector.broadcast %add3A_109 : i32 to vector<16xi32>
      %add3A_111 = arith.addi %iota3A_108, %add3A_110 : vector<16xi32>
      %get3A_112 = arith.constant 0 : i32
      %get3A_113 = arith.constant 0 : i32
      %get3A_114 = tpu.memref_slice %arg9[%get3A_112, %get3A_113] : memref<2x80xi32, #tpu.memory_space<vmem>> -> memref<1x80xi32, #tpu.memory_space<vmem>>
      %get3A_115 = tpu.memref_squeeze %get3A_114 : memref<1x80xi32, #tpu.memory_space<vmem>> -> memref<80xi32, #tpu.memory_space<vmem>>
      %get3A_116 = arith.constant 16 : index
      %get3A_117 = tpu.vector_load %get3A_115[%get3A_116] {strides = array<i32>} : memref<80xi32, #tpu.memory_space<vmem>>, vector<16xi32>,
      %gather3A_118 = tpu.vector_load_idx %arg12[%get3A_117] : memref<144xf32, #tpu.memory_space<vmem>>[vector<16xi32>], vector<16xf32>,
      %gather3A_119 = tpu.vector_load_idx %arg13[%get3A_117] : memref<144xf32, #tpu.memory_space<vmem>>[vector<16xi32>], vector<16xf32>,
      %scatter3A_120 = arith.constant 0 : i32
      %scatter3A_121 = arith.constant 0 : i32
      %scatter3A_122 = arith.constant 0 : i32
      %scatter3A_123 = tpu.memref_slice %arg10[%scatter3A_120, %scatter3A_121, %scatter3A_122] : memref<2x80x129xf32, #tpu.memory_space<vmem>> -> memref<1x80x129xf32, #tpu.memory_space<vmem>>
      %scatter3A_124 = tpu.memref_squeeze %scatter3A_123 : memref<1x80x129xf32, #tpu.memory_space<vmem>> -> memref<80x129xf32, #tpu.memory_space<vmem>>
      tpu.vector_store_idx %scatter3A_124[%add3A_111, %broadcast_in_dim3A_6], %gather3A_118 : memref<80x129xf32, #tpu.memory_space<vmem>>[vector<16xi32>, vector<16xi32>], vector<16xf32>,
      %scatter3A_125 = arith.constant 0 : i32
      %scatter3A_126 = arith.constant 0 : i32
      %scatter3A_127 = arith.constant 0 : i32
      %scatter3A_128 = tpu.memref_slice %arg11[%scatter3A_125, %scatter3A_126, %scatter3A_127] : memref<2x80x129xf32, #tpu.memory_space<vmem>> -> memref<1x80x129xf32, #tpu.memory_space<vmem>>
      %scatter3A_129 = tpu.memref_squeeze %scatter3A_128 : memref<1x80x129xf32, #tpu.memory_space<vmem>> -> memref<80x129xf32, #tpu.memory_space<vmem>>
      tpu.vector_store_idx %scatter3A_129[%add3A_111, %broadcast_in_dim3A_6], %gather3A_119 : memref<80x129xf32, #tpu.memory_space<vmem>>[vector<16xi32>, vector<16xi32>], vector<16xf32>,
      %iota3A_130 = tpu.iota {dimensions = array<i32: 0>} : vector<16xi32>
      %add3A_131 = arith.constant 32 : i32
      %add3A_132 = vector.broadcast %add3A_131 : i32 to vector<16xi32>
      %add3A_133 = arith.addi %iota3A_130, %add3A_132 : vector<16xi32>
      %get3A_134 = arith.constant 0 : i32
      %get3A_135 = arith.constant 0 : i32
      %get3A_136 = tpu.memref_slice %arg9[%get3A_134, %get3A_135] : memref<2x80xi32, #tpu.memory_space<vmem>> -> memref<1x80xi32, #tpu.memory_space<vmem>>
      %get3A_137 = tpu.memref_squeeze %get3A_136 : memref<1x80xi32, #tpu.memory_space<vmem>> -> memref<80xi32, #tpu.memory_space<vmem>>
      %get3A_138 = arith.constant 32 : index
      %get3A_139 = tpu.vector_load %get3A_137[%get3A_138] {strides = array<i32>} : memref<80xi32, #tpu.memory_space<vmem>>, vector<16xi32>,
      %gather3A_140 = tpu.vector_load_idx %arg12[%get3A_139] : memref<144xf32, #tpu.memory_space<vmem>>[vector<16xi32>], vector<16xf32>,
      %gather3A_141 = tpu.vector_load_idx %arg13[%get3A_139] : memref<144xf32, #tpu.memory_space<vmem>>[vector<16xi32>], vector<16xf32>,
      %scatter3A_142 = arith.constant 0 : i32
      %scatter3A_143 = arith.constant 0 : i32
      %scatter3A_144 = arith.constant 0 : i32
      %scatter3A_145 = tpu.memref_slice %arg10[%scatter3A_142, %scatter3A_143, %scatter3A_144] : memref<2x80x129xf32, #tpu.memory_space<vmem>> -> memref<1x80x129xf32, #tpu.memory_space<vmem>>
      %scatter3A_146 = tpu.memref_squeeze %scatter3A_145 : memref<1x80x129xf32, #tpu.memory_space<vmem>> -> memref<80x129xf32, #tpu.memory_space<vmem>>
      tpu.vector_store_idx %scatter3A_146[%add3A_133, %broadcast_in_dim3A_6], %gather3A_140 : memref<80x129xf32, #tpu.memory_space<vmem>>[vector<16xi32>, vector<16xi32>], vector<16xf32>,
      %scatter3A_147 = arith.constant 0 : i32
      %scatter3A_148 = arith.constant 0 : i32
      %scatter3A_149 = arith.constant 0 : i32
      %scatter3A_150 = tpu.memref_slice %arg11[%scatter3A_147, %scatter3A_148, %scatter3A_149] : memref<2x80x129xf32, #tpu.memory_space<vmem>> -> memref<1x80x129xf32, #tpu.memory_space<vmem>>
      %scatter3A_151 = tpu.memref_squeeze %scatter3A_150 : memref<1x80x129xf32, #tpu.memory_space<vmem>> -> memref<80x129xf32, #tpu.memory_space<vmem>>
      tpu.vector_store_idx %scatter3A_151[%add3A_133, %broadcast_in_dim3A_6], %gather3A_141 : memref<80x129xf32, #tpu.memory_space<vmem>>[vector<16xi32>, vector<16xi32>], vector<16xf32>,
      %iota3A_152 = tpu.iota {dimensions = array<i32: 0>} : vector<16xi32>
      %add3A_153 = arith.constant 48 : i32
      %add3A_154 = vector.broadcast %add3A_153 : i32 to vector<16xi32>
      %add3A_155 = arith.addi %iota3A_152, %add3A_154 : vector<16xi32>
      %get3A_156 = arith.constant 0 : i32
      %get3A_157 = arith.constant 0 : i32
      %get3A_158 = tpu.memref_slice %arg9[%get3A_156, %get3A_157] : memref<2x80xi32, #tpu.memory_space<vmem>> -> memref<1x80xi32, #tpu.memory_space<vmem>>
      %get3A_159 = tpu.memref_squeeze %get3A_158 : memref<1x80xi32, #tpu.memory_space<vmem>> -> memref<80xi32, #tpu.memory_space<vmem>>
      %get3A_160 = arith.constant 48 : index
      %get3A_161 = tpu.vector_load %get3A_159[%get3A_160] {strides = array<i32>} : memref<80xi32, #tpu.memory_space<vmem>>, vector<16xi32>,
      %gather3A_162 = tpu.vector_load_idx %arg12[%get3A_161] : memref<144xf32, #tpu.memory_space<vmem>>[vector<16xi32>], vector<16xf32>,
      %gather3A_163 = tpu.vector_load_idx %arg13[%get3A_161] : memref<144xf32, #tpu.memory_space<vmem>>[vector<16xi32>], vector<16xf32>,
      %scatter3A_164 = arith.constant 0 : i32
      %scatter3A_165 = arith.constant 0 : i32
      %scatter3A_166 = arith.constant 0 : i32
      %scatter3A_167 = tpu.memref_slice %arg10[%scatter3A_164, %scatter3A_165, %scatter3A_166] : memref<2x80x129xf32, #tpu.memory_space<vmem>> -> memref<1x80x129xf32, #tpu.memory_space<vmem>>
      %scatter3A_168 = tpu.memref_squeeze %scatter3A_167 : memref<1x80x129xf32, #tpu.memory_space<vmem>> -> memref<80x129xf32, #tpu.memory_space<vmem>>
      tpu.vector_store_idx %scatter3A_168[%add3A_155, %broadcast_in_dim3A_6], %gather3A_162 : memref<80x129xf32, #tpu.memory_space<vmem>>[vector<16xi32>, vector<16xi32>], vector<16xf32>,
      %scatter3A_169 = arith.constant 0 : i32
      %scatter3A_170 = arith.constant 0 : i32
      %scatter3A_171 = arith.constant 0 : i32
      %scatter3A_172 = tpu.memref_slice %arg11[%scatter3A_169, %scatter3A_170, %scatter3A_171] : memref<2x80x129xf32, #tpu.memory_space<vmem>> -> memref<1x80x129xf32, #tpu.memory_space<vmem>>
      %scatter3A_173 = tpu.memref_squeeze %scatter3A_172 : memref<1x80x129xf32, #tpu.memory_space<vmem>> -> memref<80x129xf32, #tpu.memory_space<vmem>>
      tpu.vector_store_idx %scatter3A_173[%add3A_155, %broadcast_in_dim3A_6], %gather3A_163 : memref<80x129xf32, #tpu.memory_space<vmem>>[vector<16xi32>, vector<16xi32>], vector<16xf32>,
      %iota3A_174 = tpu.iota {dimensions = array<i32: 0>} : vector<16xi32>
      %add3A_175 = arith.constant 64 : i32
      %add3A_176 = vector.broadcast %add3A_175 : i32 to vector<16xi32>
      %add3A_177 = arith.addi %iota3A_174, %add3A_176 : vector<16xi32>
      %get3A_178 = arith.constant 0 : i32
      %get3A_179 = arith.constant 0 : i32
      %get3A_180 = tpu.memref_slice %arg9[%get3A_178, %get3A_179] : memref<2x80xi32, #tpu.memory_space<vmem>> -> memref<1x80xi32, #tpu.memory_space<vmem>>
      %get3A_181 = tpu.memref_squeeze %get3A_180 : memref<1x80xi32, #tpu.memory_space<vmem>> -> memref<80xi32, #tpu.memory_space<vmem>>
      %get3A_182 = arith.constant 64 : index
      %get3A_183 = tpu.vector_load %get3A_181[%get3A_182] {strides = array<i32>} : memref<80xi32, #tpu.memory_space<vmem>>, vector<16xi32>,
      %gather3A_184 = tpu.vector_load_idx %arg12[%get3A_183] : memref<144xf32, #tpu.memory_space<vmem>>[vector<16xi32>], vector<16xf32>,
      %gather3A_185 = tpu.vector_load_idx %arg13[%get3A_183] : memref<144xf32, #tpu.memory_space<vmem>>[vector<16xi32>], vector<16xf32>,
      %scatter3A_186 = arith.constant 0 : i32
      %scatter3A_187 = arith.constant 0 : i32
      %scatter3A_188 = arith.constant 0 : i32
      %scatter3A_189 = tpu.memref_slice %arg10[%scatter3A_186, %scatter3A_187, %scatter3A_188] : memref<2x80x129xf32, #tpu.memory_space<vmem>> -> memref<1x80x129xf32, #tpu.memory_space<vmem>>
      %scatter3A_190 = tpu.memref_squeeze %scatter3A_189 : memref<1x80x129xf32, #tpu.memory_space<vmem>> -> memref<80x129xf32, #tpu.memory_space<vmem>>
      tpu.vector_store_idx %scatter3A_190[%add3A_177, %broadcast_in_dim3A_6], %gather3A_184 : memref<80x129xf32, #tpu.memory_space<vmem>>[vector<16xi32>, vector<16xi32>], vector<16xf32>,
      %scatter3A_191 = arith.constant 0 : i32
      %scatter3A_192 = arith.constant 0 : i32
      %scatter3A_193 = arith.constant 0 : i32
      %scatter3A_194 = tpu.memref_slice %arg11[%scatter3A_191, %scatter3A_192, %scatter3A_193] : memref<2x80x129xf32, #tpu.memory_space<vmem>> -> memref<1x80x129xf32, #tpu.memory_space<vmem>>
      %scatter3A_195 = tpu.memref_squeeze %scatter3A_194 : memref<1x80x129xf32, #tpu.memory_space<vmem>> -> memref<80x129xf32, #tpu.memory_space<vmem>>
      tpu.vector_store_idx %scatter3A_195[%add3A_177, %broadcast_in_dim3A_6], %gather3A_185 : memref<80x129xf32, #tpu.memory_space<vmem>>[vector<16xi32>, vector<16xi32>], vector<16xf32>,
      %get3A_196 = arith.constant 0 : i32
      %get3A_197 = arith.constant 0 : i32
      %get3A_198 = tpu.memref_slice %arg9[%get3A_196, %get3A_197] : memref<2x80xi32, #tpu.memory_space<vmem>> -> memref<1x80xi32, #tpu.memory_space<vmem>>
      %get3A_199 = tpu.memref_squeeze %get3A_198 : memref<1x80xi32, #tpu.memory_space<vmem>> -> memref<80xi32, #tpu.memory_space<vmem>>
      %get3A_200 = arith.constant 0 : index
      %get3A_201 = tpu.vector_load %get3A_199[%get3A_200] {strides = array<i32>} : memref<80xi32, #tpu.memory_space<vmem>>, vector<16xi32>,
      %add3A_202 = arith.addi %get3A_201, %broadcast_in_dim3A : vector<16xi32>
      %swap3A = arith.constant 0 : i32
      %swap3A_203 = arith.constant 0 : i32
      %swap3A_204 = tpu.memref_slice %arg9[%swap3A, %swap3A_203] : memref<2x80xi32, #tpu.memory_space<vmem>> -> memref<1x80xi32, #tpu.memory_space<vmem>>
      %swap3A_205 = tpu.memref_squeeze %swap3A_204 : memref<1x80xi32, #tpu.memory_space<vmem>> -> memref<80xi32, #tpu.memory_space<vmem>>
      %swap3A_206 = arith.constant 0 : index
      %swap3A_207 = tpu.vector_load %swap3A_205[%swap3A_206] {strides = array<i32>} : memref<80xi32, #tpu.memory_space<vmem>>, vector<16xi32>,
      tpu.vector_store %swap3A_205[%swap3A_206], %add3A_202 {strides = array<i32>} : memref<80xi32, #tpu.memory_space<vmem>>, vector<16xi32>,
      %get3A_208 = arith.constant 0 : i32
      %get3A_209 = arith.constant 0 : i32
      %get3A_210 = tpu.memref_slice %arg9[%get3A_208, %get3A_209] : memref<2x80xi32, #tpu.memory_space<vmem>> -> memref<1x80xi32, #tpu.memory_space<vmem>>
      %get3A_211 = tpu.memref_squeeze %get3A_210 : memref<1x80xi32, #tpu.memory_space<vmem>> -> memref<80xi32, #tpu.memory_space<vmem>>
      %get3A_212 = arith.constant 16 : index
      %get3A_213 = tpu.vector_load %get3A_211[%get3A_212] {strides = array<i32>} : memref<80xi32, #tpu.memory_space<vmem>>, vector<16xi32>,
      %add3A_214 = arith.addi %get3A_213, %broadcast_in_dim3A : vector<16xi32>
      %swap3A_215 = arith.constant 0 : i32
      %swap3A_216 = arith.constant 0 : i32
      %swap3A_217 = tpu.memref_slice %arg9[%swap3A_215, %swap3A_216] : memref<2x80xi32, #tpu.memory_space<vmem>> -> memref<1x80xi32, #tpu.memory_space<vmem>>
      %swap3A_218 = tpu.memref_squeeze %swap3A_217 : memref<1x80xi32, #tpu.memory_space<vmem>> -> memref<80xi32, #tpu.memory_space<vmem>>
      %swap3A_219 = arith.constant 16 : index
      %swap3A_220 = tpu.vector_load %swap3A_218[%swap3A_219] {strides = array<i32>} : memref<80xi32, #tpu.memory_space<vmem>>, vector<16xi32>,
      tpu.vector_store %swap3A_218[%swap3A_219], %add3A_214 {strides = array<i32>} : memref<80xi32, #tpu.memory_space<vmem>>, vector<16xi32>,
      %get3A_221 = arith.constant 0 : i32
      %get3A_222 = arith.constant 0 : i32
      %get3A_223 = tpu.memref_slice %arg9[%get3A_221, %get3A_222] : memref<2x80xi32, #tpu.memory_space<vmem>> -> memref<1x80xi32, #tpu.memory_space<vmem>>
      %get3A_224 = tpu.memref_squeeze %get3A_223 : memref<1x80xi32, #tpu.memory_space<vmem>> -> memref<80xi32, #tpu.memory_space<vmem>>
      %get3A_225 = arith.constant 32 : index
      %get3A_226 = tpu.vector_load %get3A_224[%get3A_225] {strides = array<i32>} : memref<80xi32, #tpu.memory_space<vmem>>, vector<16xi32>,
      %add3A_227 = arith.addi %get3A_226, %broadcast_in_dim3A : vector<16xi32>
      %swap3A_228 = arith.constant 0 : i32
      %swap3A_229 = arith.constant 0 : i32
      %swap3A_230 = tpu.memref_slice %arg9[%swap3A_228, %swap3A_229] : memref<2x80xi32, #tpu.memory_space<vmem>> -> memref<1x80xi32, #tpu.memory_space<vmem>>
      %swap3A_231 = tpu.memref_squeeze %swap3A_230 : memref<1x80xi32, #tpu.memory_space<vmem>> -> memref<80xi32, #tpu.memory_space<vmem>>
      %swap3A_232 = arith.constant 32 : index
      %swap3A_233 = tpu.vector_load %swap3A_231[%swap3A_232] {strides = array<i32>} : memref<80xi32, #tpu.memory_space<vmem>>, vector<16xi32>,
      tpu.vector_store %swap3A_231[%swap3A_232], %add3A_227 {strides = array<i32>} : memref<80xi32, #tpu.memory_space<vmem>>, vector<16xi32>,
      %get3A_234 = arith.constant 0 : i32
      %get3A_235 = arith.constant 0 : i32
      %get3A_236 = tpu.memref_slice %arg9[%get3A_234, %get3A_235] : memref<2x80xi32, #tpu.memory_space<vmem>> -> memref<1x80xi32, #tpu.memory_space<vmem>>
      %get3A_237 = tpu.memref_squeeze %get3A_236 : memref<1x80xi32, #tpu.memory_space<vmem>> -> memref<80xi32, #tpu.memory_space<vmem>>
      %get3A_238 = arith.constant 48 : index
      %get3A_239 = tpu.vector_load %get3A_237[%get3A_238] {strides = array<i32>} : memref<80xi32, #tpu.memory_space<vmem>>, vector<16xi32>,
      %add3A_240 = arith.addi %get3A_239, %broadcast_in_dim3A : vector<16xi32>
      %swap3A_241 = arith.constant 0 : i32
      %swap3A_242 = arith.constant 0 : i32
      %swap3A_243 = tpu.memref_slice %arg9[%swap3A_241, %swap3A_242] : memref<2x80xi32, #tpu.memory_space<vmem>> -> memref<1x80xi32, #tpu.memory_space<vmem>>
      %swap3A_244 = tpu.memref_squeeze %swap3A_243 : memref<1x80xi32, #tpu.memory_space<vmem>> -> memref<80xi32, #tpu.memory_space<vmem>>
      %swap3A_245 = arith.constant 48 : index
      %swap3A_246 = tpu.vector_load %swap3A_244[%swap3A_245] {strides = array<i32>} : memref<80xi32, #tpu.memory_space<vmem>>, vector<16xi32>,
      tpu.vector_store %swap3A_244[%swap3A_245], %add3A_240 {strides = array<i32>} : memref<80xi32, #tpu.memory_space<vmem>>, vector<16xi32>,
      %get3A_247 = arith.constant 0 : i32
      %get3A_248 = arith.constant 0 : i32
      %get3A_249 = tpu.memref_slice %arg9[%get3A_247, %get3A_248] : memref<2x80xi32, #tpu.memory_space<vmem>> -> memref<1x80xi32, #tpu.memory_space<vmem>>
      %get3A_250 = tpu.memref_squeeze %get3A_249 : memref<1x80xi32, #tpu.memory_space<vmem>> -> memref<80xi32, #tpu.memory_space<vmem>>
      %get3A_251 = arith.constant 64 : index
      %get3A_252 = tpu.vector_load %get3A_250[%get3A_251] {strides = array<i32>} : memref<80xi32, #tpu.memory_space<vmem>>, vector<16xi32>,
      %add3A_253 = arith.addi %get3A_252, %broadcast_in_dim3A : vector<16xi32>
      %swap3A_254 = arith.constant 0 : i32
      %swap3A_255 = arith.constant 0 : i32
      %swap3A_256 = tpu.memref_slice %arg9[%swap3A_254, %swap3A_255] : memref<2x80xi32, #tpu.memory_space<vmem>> -> memref<1x80xi32, #tpu.memory_space<vmem>>
      %swap3A_257 = tpu.memref_squeeze %swap3A_256 : memref<1x80xi32, #tpu.memory_space<vmem>> -> memref<80xi32, #tpu.memory_space<vmem>>
      %swap3A_258 = arith.constant 64 : index
      %swap3A_259 = tpu.vector_load %swap3A_257[%swap3A_258] {strides = array<i32>} : memref<80xi32, #tpu.memory_space<vmem>>, vector<16xi32>,
      tpu.vector_store %swap3A_257[%swap3A_258], %add3A_253 {strides = array<i32>} : memref<80xi32, #tpu.memory_space<vmem>>, vector<16xi32>,
      %dma_start3A = arith.constant 0 : i32
      %dma_start3A_260 = arith.constant 0 : i32
      %dma_start3A_261 = arith.constant 0 : i32
      %dma_start3A_262 = arith.constant 0 : i32
      %dma_start3A_263 = arith.constant 0 : i32
      %dma_start3A_264 = tpu.memref_slice %arg10[%dma_start3A_260, %dma_start3A_262, %dma_start3A_263] : memref<2x80x129xf32, #tpu.memory_space<vmem>> -> memref<1x80x129xf32, #tpu.memory_space<vmem>>
      %dma_start3A_265 = tpu.memref_squeeze %dma_start3A_264 : memref<1x80x129xf32, #tpu.memory_space<vmem>> -> memref<80x129xf32, #tpu.memory_space<vmem>>
      %dma_start3A_266 = arith.constant 0 : i32
      %dma_start3A_267 = arith.constant 0 : i32
      %dma_start3A_268 = tpu.memref_slice %dma_start3A_265[%dma_start3A_266, %dma_start3A_267] : memref<80x129xf32, #tpu.memory_space<vmem>> -> memref<80x128xf32, #tpu.memory_space<vmem>>
      %dma_start3A_269 = arith.constant 0 : i32
      %dma_start3A_270 = tpu.memref_slice %arg9[%dma_start3A, %dma_start3A_269] : memref<2x80xi32, #tpu.memory_space<vmem>> -> memref<1x80xi32, #tpu.memory_space<vmem>>
      %dma_start3A_271 = tpu.memref_squeeze %dma_start3A_270 : memref<1x80xi32, #tpu.memory_space<vmem>> -> memref<80xi32, #tpu.memory_space<vmem>>
      %dma_start3A_272 = arith.constant 0 : i32
      %dma_start3A_273 = arith.constant 0 : i32
      %dma_start3A_274 = tpu.memref_slice %arg2[%dma_start3A_272, %dma_start3A_273] : memref<4128x128xf32, #tpu.memory_space<hbm>> -> memref<4128x128xf32, #tpu.memory_space<hbm>>
      %dma_start3A_275 = tpu.memref_slice %arg14[%dma_start3A_261] : memref<2x!tpu.dma_semaphore, #tpu.memory_space<semaphore_mem>> -> memref<1x!tpu.dma_semaphore, #tpu.memory_space<semaphore_mem>>
      %dma_start3A_276 = tpu.memref_squeeze %dma_start3A_275 : memref<1x!tpu.dma_semaphore, #tpu.memory_space<semaphore_mem>> -> memref<!tpu.dma_semaphore, #tpu.memory_space<semaphore_mem>>
      tpu.enqueue_indirect_dma source(%dma_start3A_274 : memref<4128x128xf32, #tpu.memory_space<hbm>>) target(%dma_start3A_268 : memref<80x128xf32, #tpu.memory_space<vmem>>) offsets(%dma_start3A_271 : memref<80xi32, #tpu.memory_space<vmem>>) semaphore(%dma_start3A_276 : memref<!tpu.dma_semaphore, #tpu.memory_space<semaphore_mem>>)
      %dma_start3A_277 = arith.constant 0 : i32
      %dma_start3A_278 = arith.constant 0 : i32
      %dma_start3A_279 = arith.constant 0 : i32
      %dma_start3A_280 = arith.constant 0 : i32
      %dma_start3A_281 = arith.constant 0 : i32
      %dma_start3A_282 = tpu.memref_slice %arg11[%dma_start3A_278, %dma_start3A_280, %dma_start3A_281] : memref<2x80x129xf32, #tpu.memory_space<vmem>> -> memref<1x80x129xf32, #tpu.memory_space<vmem>>
      %dma_start3A_283 = tpu.memref_squeeze %dma_start3A_282 : memref<1x80x129xf32, #tpu.memory_space<vmem>> -> memref<80x129xf32, #tpu.memory_space<vmem>>
      %dma_start3A_284 = arith.constant 0 : i32
      %dma_start3A_285 = arith.constant 0 : i32
      %dma_start3A_286 = tpu.memref_slice %dma_start3A_283[%dma_start3A_284, %dma_start3A_285] : memref<80x129xf32, #tpu.memory_space<vmem>> -> memref<80x128xf32, #tpu.memory_space<vmem>>
      %dma_start3A_287 = arith.constant 0 : i32
      %dma_start3A_288 = tpu.memref_slice %arg9[%dma_start3A_277, %dma_start3A_287] : memref<2x80xi32, #tpu.memory_space<vmem>> -> memref<1x80xi32, #tpu.memory_space<vmem>>
      %dma_start3A_289 = tpu.memref_squeeze %dma_start3A_288 : memref<1x80xi32, #tpu.memory_space<vmem>> -> memref<80xi32, #tpu.memory_space<vmem>>
      %dma_start3A_290 = arith.constant 0 : i32
      %dma_start3A_291 = arith.constant 0 : i32
      %dma_start3A_292 = tpu.memref_slice %arg3[%dma_start3A_290, %dma_start3A_291] : memref<4128x128xf32, #tpu.memory_space<hbm>> -> memref<4128x128xf32, #tpu.memory_space<hbm>>
      %dma_start3A_293 = tpu.memref_slice %arg14[%dma_start3A_279] : memref<2x!tpu.dma_semaphore, #tpu.memory_space<semaphore_mem>> -> memref<1x!tpu.dma_semaphore, #tpu.memory_space<semaphore_mem>>
      %dma_start3A_294 = tpu.memref_squeeze %dma_start3A_293 : memref<1x!tpu.dma_semaphore, #tpu.memory_space<semaphore_mem>> -> memref<!tpu.dma_semaphore, #tpu.memory_space<semaphore_mem>>
      tpu.enqueue_indirect_dma source(%dma_start3A_292 : memref<4128x128xf32, #tpu.memory_space<hbm>>) target(%dma_start3A_286 : memref<80x128xf32, #tpu.memory_space<vmem>>) offsets(%dma_start3A_289 : memref<80xi32, #tpu.memory_space<vmem>>) semaphore(%dma_start3A_294 : memref<!tpu.dma_semaphore, #tpu.memory_space<semaphore_mem>>)
      %add3A_295 = arith.constant 1 : i32
      %add3A_296 = arith.addi %add3A_82, %add3A_295 : i32
      %mul3A_297 = arith.constant 80 : i32
      %mul3A_298 = arith.muli %add3A_296, %mul3A_297 : i32
      %add3A_299 = arith.addi %mul3A_2, %mul3A_298 : i32
      %ge3A_300 = arith.constant 2 : i32
      %ge3A_301 = arith.cmpi sge, %add3A_296, %ge3A_300 : i32
      %convert_element_type3A_302 = arith.extui %ge3A_301 : i1 to i32
      %cond3A_303 = arith.constant 0 : i32
      %cond3A_304 = arith.cmpi ne, %convert_element_type3A_302, %cond3A_303 : i32
      scf.if %cond3A_304 {
        %dma_wait3A_663 = arith.constant 1 : i32
        %dma_wait3A_664 = arith.constant 1 : i32
        %dma_wait3A_665 = arith.constant 0 : i32
        %dma_wait3A_666 = arith.constant 0 : i32
        %dma_wait3A_667 = tpu.memref_slice %arg10[%dma_wait3A_663, %dma_wait3A_665, %dma_wait3A_666] : memref<2x80x129xf32, #tpu.memory_space<vmem>> -> memref<1x80x129xf32, #tpu.memory_space<vmem>>
        %dma_wait3A_668 = tpu.memref_squeeze %dma_wait3A_667 : memref<1x80x129xf32, #tpu.memory_space<vmem>> -> memref<80x129xf32, #tpu.memory_space<vmem>>
        %dma_wait3A_669 = arith.constant 0 : i32
        %dma_wait3A_670 = tpu.memref_slice %arg7[%add3A_299, %dma_wait3A_669] : memref<819200x129xf32, #tpu.memory_space<hbm>> -> memref<80x129xf32, #tpu.memory_space<hbm>>
        %dma_wait3A_671 = tpu.memref_slice %arg15[%dma_wait3A_664] : memref<2x!tpu.dma_semaphore, #tpu.memory_space<semaphore_mem>> -> memref<1x!tpu.dma_semaphore, #tpu.memory_space<semaphore_mem>>
        %dma_wait3A_672 = tpu.memref_squeeze %dma_wait3A_671 : memref<1x!tpu.dma_semaphore, #tpu.memory_space<semaphore_mem>> -> memref<!tpu.dma_semaphore, #tpu.memory_space<semaphore_mem>>
        %dma_wait3A_673 = arith.constant 0 : i32
        %dma_wait3A_674 = tpu.memref_slice %arg7[%add3A_299, %dma_wait3A_673] : memref<819200x129xf32, #tpu.memory_space<hbm>> -> memref<80x129xf32, #tpu.memory_space<hbm>>
        %dma_wait3A_675 = arith.constant 0 : i32
        %dma_wait3A_676 = arith.constant 0 : i32
        %dma_wait3A_677 = tpu.memref_slice %arg10[%dma_wait3A_663, %dma_wait3A_675, %dma_wait3A_676] : memref<2x80x129xf32, #tpu.memory_space<vmem>> -> memref<1x80x129xf32, #tpu.memory_space<vmem>>
        %dma_wait3A_678 = tpu.memref_squeeze %dma_wait3A_677 : memref<1x80x129xf32, #tpu.memory_space<vmem>> -> memref<80x129xf32, #tpu.memory_space<vmem>>
        tpu.wait_dma2 semaphore(%dma_wait3A_672 : memref<!tpu.dma_semaphore, #tpu.memory_space<semaphore_mem>>) src(%dma_wait3A_678 : memref<80x129xf32, #tpu.memory_space<vmem>>) dst(%dma_wait3A_674 : memref<80x129xf32, #tpu.memory_space<hbm>>)
        %dma_wait3A_679 = arith.constant 1 : i32
        %dma_wait3A_680 = arith.constant 1 : i32
        %dma_wait3A_681 = arith.constant 0 : i32
        %dma_wait3A_682 = arith.constant 0 : i32
        %dma_wait3A_683 = tpu.memref_slice %arg11[%dma_wait3A_679, %dma_wait3A_681, %dma_wait3A_682] : memref<2x80x129xf32, #tpu.memory_space<vmem>> -> memref<1x80x129xf32, #tpu.memory_space<vmem>>
        %dma_wait3A_684 = tpu.memref_squeeze %dma_wait3A_683 : memref<1x80x129xf32, #tpu.memory_space<vmem>> -> memref<80x129xf32, #tpu.memory_space<vmem>>
        %dma_wait3A_685 = arith.constant 0 : i32
        %dma_wait3A_686 = tpu.memref_slice %arg8[%add3A_299, %dma_wait3A_685] : memref<819200x129xf32, #tpu.memory_space<hbm>> -> memref<80x129xf32, #tpu.memory_space<hbm>>
        %dma_wait3A_687 = tpu.memref_slice %arg15[%dma_wait3A_680] : memref<2x!tpu.dma_semaphore, #tpu.memory_space<semaphore_mem>> -> memref<1x!tpu.dma_semaphore, #tpu.memory_space<semaphore_mem>>
        %dma_wait3A_688 = tpu.memref_squeeze %dma_wait3A_687 : memref<1x!tpu.dma_semaphore, #tpu.memory_space<semaphore_mem>> -> memref<!tpu.dma_semaphore, #tpu.memory_space<semaphore_mem>>
        %dma_wait3A_689 = arith.constant 0 : i32
        %dma_wait3A_690 = tpu.memref_slice %arg8[%add3A_299, %dma_wait3A_689] : memref<819200x129xf32, #tpu.memory_space<hbm>> -> memref<80x129xf32, #tpu.memory_space<hbm>>
        %dma_wait3A_691 = arith.constant 0 : i32
        %dma_wait3A_692 = arith.constant 0 : i32
        %dma_wait3A_693 = tpu.memref_slice %arg11[%dma_wait3A_679, %dma_wait3A_691, %dma_wait3A_692] : memref<2x80x129xf32, #tpu.memory_space<vmem>> -> memref<1x80x129xf32, #tpu.memory_space<vmem>>
        %dma_wait3A_694 = tpu.memref_squeeze %dma_wait3A_693 : memref<1x80x129xf32, #tpu.memory_space<vmem>> -> memref<80x129xf32, #tpu.memory_space<vmem>>
        tpu.wait_dma2 semaphore(%dma_wait3A_688 : memref<!tpu.dma_semaphore, #tpu.memory_space<semaphore_mem>>) src(%dma_wait3A_694 : memref<80x129xf32, #tpu.memory_space<vmem>>) dst(%dma_wait3A_690 : memref<80x129xf32, #tpu.memory_space<hbm>>)
      } else {
      }
      %run_scoped3A_305 = arith.constant 1 : i32
      "tpu.region"() ({
        %run_scoped3A_663 = tpu.sem_alloc : memref<!tpu.dma_semaphore, #tpu.memory_space<semaphore_mem>>
        %dma_start3A_664 = arith.constant 0 : i32
        %dma_start3A_665 = tpu.memref_slice %arg9[%run_scoped3A_305, %dma_start3A_664] : memref<2x80xi32, #tpu.memory_space<vmem>> -> memref<1x80xi32, #tpu.memory_space<vmem>>
        %dma_start3A_666 = tpu.memref_squeeze %dma_start3A_665 : memref<1x80xi32, #tpu.memory_space<vmem>> -> memref<80xi32, #tpu.memory_space<vmem>>
        %dma_start3A_667 = tpu.memref_slice %arg6[%add3A_299] : memref<819200xi32, #tpu.memory_space<hbm>> -> memref<80xi32, #tpu.memory_space<hbm>>
        %dma_start3A_668 = arith.constant 0 : i32
        %dma_start3A_669 = tpu.memref_slice %arg9[%run_scoped3A_305, %dma_start3A_668] : memref<2x80xi32, #tpu.memory_space<vmem>> -> memref<1x80xi32, #tpu.memory_space<vmem>>
        %dma_start3A_670 = tpu.memref_squeeze %dma_start3A_669 : memref<1x80xi32, #tpu.memory_space<vmem>> -> memref<80xi32, #tpu.memory_space<vmem>>
        %dma_start3A_671 = tpu.memref_slice %arg6[%add3A_299] : memref<819200xi32, #tpu.memory_space<hbm>> -> memref<80xi32, #tpu.memory_space<hbm>>
        tpu.enqueue_dma source(%dma_start3A_671 : memref<80xi32, #tpu.memory_space<hbm>>) target(%dma_start3A_670 : memref<80xi32, #tpu.memory_space<vmem>>) target_semaphore(%run_scoped3A_663 : memref<!tpu.dma_semaphore, #tpu.memory_space<semaphore_mem>>)
        %dma_wait3A_672 = arith.constant 0 : i32
        %dma_wait3A_673 = tpu.memref_slice %arg9[%run_scoped3A_305, %dma_wait3A_672] : memref<2x80xi32, #tpu.memory_space<vmem>> -> memref<1x80xi32, #tpu.memory_space<vmem>>
        %dma_wait3A_674 = tpu.memref_squeeze %dma_wait3A_673 : memref<1x80xi32, #tpu.memory_space<vmem>> -> memref<80xi32, #tpu.memory_space<vmem>>
        %dma_wait3A_675 = tpu.memref_slice %arg6[%add3A_299] : memref<819200xi32, #tpu.memory_space<hbm>> -> memref<80xi32, #tpu.memory_space<hbm>>
        %dma_wait3A_676 = arith.constant 0 : i32
        %dma_wait3A_677 = tpu.memref_slice %arg9[%run_scoped3A_305, %dma_wait3A_676] : memref<2x80xi32, #tpu.memory_space<vmem>> -> memref<1x80xi32, #tpu.memory_space<vmem>>
        %dma_wait3A_678 = tpu.memref_squeeze %dma_wait3A_677 : memref<1x80xi32, #tpu.memory_space<vmem>> -> memref<80xi32, #tpu.memory_space<vmem>>
        %dma_wait3A_679 = tpu.memref_slice %arg6[%add3A_299] : memref<819200xi32, #tpu.memory_space<hbm>> -> memref<80xi32, #tpu.memory_space<hbm>>
        tpu.wait_dma2 semaphore(%run_scoped3A_663 : memref<!tpu.dma_semaphore, #tpu.memory_space<semaphore_mem>>) src(%dma_wait3A_679 : memref<80xi32, #tpu.memory_space<hbm>>) dst(%dma_wait3A_678 : memref<80xi32, #tpu.memory_space<vmem>>)
        tpu.yield
      }) : () -> ()
      %iota3A_306 = tpu.iota {dimensions = array<i32: 0>} : vector<16xi32>
      %add3A_307 = arith.constant 0 : i32
      %add3A_308 = vector.broadcast %add3A_307 : i32 to vector<16xi32>
      %add3A_309 = arith.addi %iota3A_306, %add3A_308 : vector<16xi32>
      %get3A_310 = arith.constant 1 : i32
      %get3A_311 = arith.constant 0 : i32
      %get3A_312 = tpu.memref_slice %arg9[%get3A_310, %get3A_311] : memref<2x80xi32, #tpu.memory_space<vmem>> -> memref<1x80xi32, #tpu.memory_space<vmem>>
      %get3A_313 = tpu.memref_squeeze %get3A_312 : memref<1x80xi32, #tpu.memory_space<vmem>> -> memref<80xi32, #tpu.memory_space<vmem>>
      %get3A_314 = arith.constant 0 : index
      %get3A_315 = tpu.vector_load %get3A_313[%get3A_314] {strides = array<i32>} : memref<80xi32, #tpu.memory_space<vmem>>, vector<16xi32>,
      %gather3A_316 = tpu.vector_load_idx %arg12[%get3A_315] : memref<144xf32, #tpu.memory_space<vmem>>[vector<16xi32>], vector<16xf32>,
      %gather3A_317 = tpu.vector_load_idx %arg13[%get3A_315] : memref<144xf32, #tpu.memory_space<vmem>>[vector<16xi32>], vector<16xf32>,
      %scatter3A_318 = arith.constant 1 : i32
      %scatter3A_319 = arith.constant 0 : i32
      %scatter3A_320 = arith.constant 0 : i32
      %scatter3A_321 = tpu.memref_slice %arg10[%scatter3A_318, %scatter3A_319, %scatter3A_320] : memref<2x80x129xf32, #tpu.memory_space<vmem>> -> memref<1x80x129xf32, #tpu.memory_space<vmem>>
      %scatter3A_322 = tpu.memref_squeeze %scatter3A_321 : memref<1x80x129xf32, #tpu.memory_space<vmem>> -> memref<80x129xf32, #tpu.memory_space<vmem>>
      tpu.vector_store_idx %scatter3A_322[%add3A_309, %broadcast_in_dim3A_6], %gather3A_316 : memref<80x129xf32, #tpu.memory_space<vmem>>[vector<16xi32>, vector<16xi32>], vector<16xf32>,
      %scatter3A_323 = arith.constant 1 : i32
      %scatter3A_324 = arith.constant 0 : i32
      %scatter3A_325 = arith.constant 0 : i32
      %scatter3A_326 = tpu.memref_slice %arg11[%scatter3A_323, %scatter3A_324, %scatter3A_325] : memref<2x80x129xf32, #tpu.memory_space<vmem>> -> memref<1x80x129xf32, #tpu.memory_space<vmem>>
      %scatter3A_327 = tpu.memref_squeeze %scatter3A_326 : memref<1x80x129xf32, #tpu.memory_space<vmem>> -> memref<80x129xf32, #tpu.memory_space<vmem>>
      tpu.vector_store_idx %scatter3A_327[%add3A_309, %broadcast_in_dim3A_6], %gather3A_317 : memref<80x129xf32, #tpu.memory_space<vmem>>[vector<16xi32>, vector<16xi32>], vector<16xf32>,
      %iota3A_328 = tpu.iota {dimensions = array<i32: 0>} : vector<16xi32>
      %add3A_329 = arith.constant 16 : i32
      %add3A_330 = vector.broadcast %add3A_329 : i32 to vector<16xi32>
      %add3A_331 = arith.addi %iota3A_328, %add3A_330 : vector<16xi32>
      %get3A_332 = arith.constant 1 : i32
      %get3A_333 = arith.constant 0 : i32
      %get3A_334 = tpu.memref_slice %arg9[%get3A_332, %get3A_333] : memref<2x80xi32, #tpu.memory_space<vmem>> -> memref<1x80xi32, #tpu.memory_space<vmem>>
      %get3A_335 = tpu.memref_squeeze %get3A_334 : memref<1x80xi32, #tpu.memory_space<vmem>> -> memref<80xi32, #tpu.memory_space<vmem>>
      %get3A_336 = arith.constant 16 : index
      %get3A_337 = tpu.vector_load %get3A_335[%get3A_336] {strides = array<i32>} : memref<80xi32, #tpu.memory_space<vmem>>, vector<16xi32>,
      %gather3A_338 = tpu.vector_load_idx %arg12[%get3A_337] : memref<144xf32, #tpu.memory_space<vmem>>[vector<16xi32>], vector<16xf32>,
      %gather3A_339 = tpu.vector_load_idx %arg13[%get3A_337] : memref<144xf32, #tpu.memory_space<vmem>>[vector<16xi32>], vector<16xf32>,
      %scatter3A_340 = arith.constant 1 : i32
      %scatter3A_341 = arith.constant 0 : i32
      %scatter3A_342 = arith.constant 0 : i32
      %scatter3A_343 = tpu.memref_slice %arg10[%scatter3A_340, %scatter3A_341, %scatter3A_342] : memref<2x80x129xf32, #tpu.memory_space<vmem>> -> memref<1x80x129xf32, #tpu.memory_space<vmem>>
      %scatter3A_344 = tpu.memref_squeeze %scatter3A_343 : memref<1x80x129xf32, #tpu.memory_space<vmem>> -> memref<80x129xf32, #tpu.memory_space<vmem>>
      tpu.vector_store_idx %scatter3A_344[%add3A_331, %broadcast_in_dim3A_6], %gather3A_338 : memref<80x129xf32, #tpu.memory_space<vmem>>[vector<16xi32>, vector<16xi32>], vector<16xf32>,
      %scatter3A_345 = arith.constant 1 : i32
      %scatter3A_346 = arith.constant 0 : i32
      %scatter3A_347 = arith.constant 0 : i32
      %scatter3A_348 = tpu.memref_slice %arg11[%scatter3A_345, %scatter3A_346, %scatter3A_347] : memref<2x80x129xf32, #tpu.memory_space<vmem>> -> memref<1x80x129xf32, #tpu.memory_space<vmem>>
      %scatter3A_349 = tpu.memref_squeeze %scatter3A_348 : memref<1x80x129xf32, #tpu.memory_space<vmem>> -> memref<80x129xf32, #tpu.memory_space<vmem>>
      tpu.vector_store_idx %scatter3A_349[%add3A_331, %broadcast_in_dim3A_6], %gather3A_339 : memref<80x129xf32, #tpu.memory_space<vmem>>[vector<16xi32>, vector<16xi32>], vector<16xf32>,
      %iota3A_350 = tpu.iota {dimensions = array<i32: 0>} : vector<16xi32>
      %add3A_351 = arith.constant 32 : i32
      %add3A_352 = vector.broadcast %add3A_351 : i32 to vector<16xi32>
      %add3A_353 = arith.addi %iota3A_350, %add3A_352 : vector<16xi32>
      %get3A_354 = arith.constant 1 : i32
      %get3A_355 = arith.constant 0 : i32
      %get3A_356 = tpu.memref_slice %arg9[%get3A_354, %get3A_355] : memref<2x80xi32, #tpu.memory_space<vmem>> -> memref<1x80xi32, #tpu.memory_space<vmem>>
      %get3A_357 = tpu.memref_squeeze %get3A_356 : memref<1x80xi32, #tpu.memory_space<vmem>> -> memref<80xi32, #tpu.memory_space<vmem>>
      %get3A_358 = arith.constant 32 : index
      %get3A_359 = tpu.vector_load %get3A_357[%get3A_358] {strides = array<i32>} : memref<80xi32, #tpu.memory_space<vmem>>, vector<16xi32>,
      %gather3A_360 = tpu.vector_load_idx %arg12[%get3A_359] : memref<144xf32, #tpu.memory_space<vmem>>[vector<16xi32>], vector<16xf32>,
      %gather3A_361 = tpu.vector_load_idx %arg13[%get3A_359] : memref<144xf32, #tpu.memory_space<vmem>>[vector<16xi32>], vector<16xf32>,
      %scatter3A_362 = arith.constant 1 : i32
      %scatter3A_363 = arith.constant 0 : i32
      %scatter3A_364 = arith.constant 0 : i32
      %scatter3A_365 = tpu.memref_slice %arg10[%scatter3A_362, %scatter3A_363, %scatter3A_364] : memref<2x80x129xf32, #tpu.memory_space<vmem>> -> memref<1x80x129xf32, #tpu.memory_space<vmem>>
      %scatter3A_366 = tpu.memref_squeeze %scatter3A_365 : memref<1x80x129xf32, #tpu.memory_space<vmem>> -> memref<80x129xf32, #tpu.memory_space<vmem>>
      tpu.vector_store_idx %scatter3A_366[%add3A_353, %broadcast_in_dim3A_6], %gather3A_360 : memref<80x129xf32, #tpu.memory_space<vmem>>[vector<16xi32>, vector<16xi32>], vector<16xf32>,
      %scatter3A_367 = arith.constant 1 : i32
      %scatter3A_368 = arith.constant 0 : i32
      %scatter3A_369 = arith.constant 0 : i32
      %scatter3A_370 = tpu.memref_slice %arg11[%scatter3A_367, %scatter3A_368, %scatter3A_369] : memref<2x80x129xf32, #tpu.memory_space<vmem>> -> memref<1x80x129xf32, #tpu.memory_space<vmem>>
      %scatter3A_371 = tpu.memref_squeeze %scatter3A_370 : memref<1x80x129xf32, #tpu.memory_space<vmem>> -> memref<80x129xf32, #tpu.memory_space<vmem>>
      tpu.vector_store_idx %scatter3A_371[%add3A_353, %broadcast_in_dim3A_6], %gather3A_361 : memref<80x129xf32, #tpu.memory_space<vmem>>[vector<16xi32>, vector<16xi32>], vector<16xf32>,
      %iota3A_372 = tpu.iota {dimensions = array<i32: 0>} : vector<16xi32>
      %add3A_373 = arith.constant 48 : i32
      %add3A_374 = vector.broadcast %add3A_373 : i32 to vector<16xi32>
      %add3A_375 = arith.addi %iota3A_372, %add3A_374 : vector<16xi32>
      %get3A_376 = arith.constant 1 : i32
      %get3A_377 = arith.constant 0 : i32
      %get3A_378 = tpu.memref_slice %arg9[%get3A_376, %get3A_377] : memref<2x80xi32, #tpu.memory_space<vmem>> -> memref<1x80xi32, #tpu.memory_space<vmem>>
      %get3A_379 = tpu.memref_squeeze %get3A_378 : memref<1x80xi32, #tpu.memory_space<vmem>> -> memref<80xi32, #tpu.memory_space<vmem>>
      %get3A_380 = arith.constant 48 : index
      %get3A_381 = tpu.vector_load %get3A_379[%get3A_380] {strides = array<i32>} : memref<80xi32, #tpu.memory_space<vmem>>, vector<16xi32>,
      %gather3A_382 = tpu.vector_load_idx %arg12[%get3A_381] : memref<144xf32, #tpu.memory_space<vmem>>[vector<16xi32>], vector<16xf32>,
      %gather3A_383 = tpu.vector_load_idx %arg13[%get3A_381] : memref<144xf32, #tpu.memory_space<vmem>>[vector<16xi32>], vector<16xf32>,
      %scatter3A_384 = arith.constant 1 : i32
      %scatter3A_385 = arith.constant 0 : i32
      %scatter3A_386 = arith.constant 0 : i32
      %scatter3A_387 = tpu.memref_slice %arg10[%scatter3A_384, %scatter3A_385, %scatter3A_386] : memref<2x80x129xf32, #tpu.memory_space<vmem>> -> memref<1x80x129xf32, #tpu.memory_space<vmem>>
      %scatter3A_388 = tpu.memref_squeeze %scatter3A_387 : memref<1x80x129xf32, #tpu.memory_space<vmem>> -> memref<80x129xf32, #tpu.memory_space<vmem>>
      tpu.vector_store_idx %scatter3A_388[%add3A_375, %broadcast_in_dim3A_6], %gather3A_382 : memref<80x129xf32, #tpu.memory_space<vmem>>[vector<16xi32>, vector<16xi32>], vector<16xf32>,
      %scatter3A_389 = arith.constant 1 : i32
      %scatter3A_390 = arith.constant 0 : i32
      %scatter3A_391 = arith.constant 0 : i32
      %scatter3A_392 = tpu.memref_slice %arg11[%scatter3A_389, %scatter3A_390, %scatter3A_391] : memref<2x80x129xf32, #tpu.memory_space<vmem>> -> memref<1x80x129xf32, #tpu.memory_space<vmem>>
      %scatter3A_393 = tpu.memref_squeeze %scatter3A_392 : memref<1x80x129xf32, #tpu.memory_space<vmem>> -> memref<80x129xf32, #tpu.memory_space<vmem>>
      tpu.vector_store_idx %scatter3A_393[%add3A_375, %broadcast_in_dim3A_6], %gather3A_383 : memref<80x129xf32, #tpu.memory_space<vmem>>[vector<16xi32>, vector<16xi32>], vector<16xf32>,
      %iota3A_394 = tpu.iota {dimensions = array<i32: 0>} : vector<16xi32>
      %add3A_395 = arith.constant 64 : i32
      %add3A_396 = vector.broadcast %add3A_395 : i32 to vector<16xi32>
      %add3A_397 = arith.addi %iota3A_394, %add3A_396 : vector<16xi32>
      %get3A_398 = arith.constant 1 : i32
      %get3A_399 = arith.constant 0 : i32
      %get3A_400 = tpu.memref_slice %arg9[%get3A_398, %get3A_399] : memref<2x80xi32, #tpu.memory_space<vmem>> -> memref<1x80xi32, #tpu.memory_space<vmem>>
      %get3A_401 = tpu.memref_squeeze %get3A_400 : memref<1x80xi32, #tpu.memory_space<vmem>> -> memref<80xi32, #tpu.memory_space<vmem>>
      %get3A_402 = arith.constant 64 : index
      %get3A_403 = tpu.vector_load %get3A_401[%get3A_402] {strides = array<i32>} : memref<80xi32, #tpu.memory_space<vmem>>, vector<16xi32>,
      %gather3A_404 = tpu.vector_load_idx %arg12[%get3A_403] : memref<144xf32, #tpu.memory_space<vmem>>[vector<16xi32>], vector<16xf32>,
      %gather3A_405 = tpu.vector_load_idx %arg13[%get3A_403] : memref<144xf32, #tpu.memory_space<vmem>>[vector<16xi32>], vector<16xf32>,
      %scatter3A_406 = arith.constant 1 : i32
      %scatter3A_407 = arith.constant 0 : i32
      %scatter3A_408 = arith.constant 0 : i32
      %scatter3A_409 = tpu.memref_slice %arg10[%scatter3A_406, %scatter3A_407, %scatter3A_408] : memref<2x80x129xf32, #tpu.memory_space<vmem>> -> memref<1x80x129xf32, #tpu.memory_space<vmem>>
      %scatter3A_410 = tpu.memref_squeeze %scatter3A_409 : memref<1x80x129xf32, #tpu.memory_space<vmem>> -> memref<80x129xf32, #tpu.memory_space<vmem>>
      tpu.vector_store_idx %scatter3A_410[%add3A_397, %broadcast_in_dim3A_6], %gather3A_404 : memref<80x129xf32, #tpu.memory_space<vmem>>[vector<16xi32>, vector<16xi32>], vector<16xf32>,
      %scatter3A_411 = arith.constant 1 : i32
      %scatter3A_412 = arith.constant 0 : i32
      %scatter3A_413 = arith.constant 0 : i32
      %scatter3A_414 = tpu.memref_slice %arg11[%scatter3A_411, %scatter3A_412, %scatter3A_413] : memref<2x80x129xf32, #tpu.memory_space<vmem>> -> memref<1x80x129xf32, #tpu.memory_space<vmem>>
      %scatter3A_415 = tpu.memref_squeeze %scatter3A_414 : memref<1x80x129xf32, #tpu.memory_space<vmem>> -> memref<80x129xf32, #tpu.memory_space<vmem>>
      tpu.vector_store_idx %scatter3A_415[%add3A_397, %broadcast_in_dim3A_6], %gather3A_405 : memref<80x129xf32, #tpu.memory_space<vmem>>[vector<16xi32>, vector<16xi32>], vector<16xf32>,
      %get3A_416 = arith.constant 1 : i32
      %get3A_417 = arith.constant 0 : i32
      %get3A_418 = tpu.memref_slice %arg9[%get3A_416, %get3A_417] : memref<2x80xi32, #tpu.memory_space<vmem>> -> memref<1x80xi32, #tpu.memory_space<vmem>>
      %get3A_419 = tpu.memref_squeeze %get3A_418 : memref<1x80xi32, #tpu.memory_space<vmem>> -> memref<80xi32, #tpu.memory_space<vmem>>
      %get3A_420 = arith.constant 0 : index
      %get3A_421 = tpu.vector_load %get3A_419[%get3A_420] {strides = array<i32>} : memref<80xi32, #tpu.memory_space<vmem>>, vector<16xi32>,
      %add3A_422 = arith.addi %get3A_421, %broadcast_in_dim3A : vector<16xi32>
      %swap3A_423 = arith.constant 1 : i32
      %swap3A_424 = arith.constant 0 : i32
      %swap3A_425 = tpu.memref_slice %arg9[%swap3A_423, %swap3A_424] : memref<2x80xi32, #tpu.memory_space<vmem>> -> memref<1x80xi32, #tpu.memory_space<vmem>>
      %swap3A_426 = tpu.memref_squeeze %swap3A_425 : memref<1x80xi32, #tpu.memory_space<vmem>> -> memref<80xi32, #tpu.memory_space<vmem>>
      %swap3A_427 = arith.constant 0 : index
      %swap3A_428 = tpu.vector_load %swap3A_426[%swap3A_427] {strides = array<i32>} : memref<80xi32, #tpu.memory_space<vmem>>, vector<16xi32>,
      tpu.vector_store %swap3A_426[%swap3A_427], %add3A_422 {strides = array<i32>} : memref<80xi32, #tpu.memory_space<vmem>>, vector<16xi32>,
      %get3A_429 = arith.constant 1 : i32
      %get3A_430 = arith.constant 0 : i32
      %get3A_431 = tpu.memref_slice %arg9[%get3A_429, %get3A_430] : memref<2x80xi32, #tpu.memory_space<vmem>> -> memref<1x80xi32, #tpu.memory_space<vmem>>
      %get3A_432 = tpu.memref_squeeze %get3A_431 : memref<1x80xi32, #tpu.memory_space<vmem>> -> memref<80xi32, #tpu.memory_space<vmem>>
      %get3A_433 = arith.constant 16 : index
      %get3A_434 = tpu.vector_load %get3A_432[%get3A_433] {strides = array<i32>} : memref<80xi32, #tpu.memory_space<vmem>>, vector<16xi32>,
      %add3A_435 = arith.addi %get3A_434, %broadcast_in_dim3A : vector<16xi32>
      %swap3A_436 = arith.constant 1 : i32
      %swap3A_437 = arith.constant 0 : i32
      %swap3A_438 = tpu.memref_slice %arg9[%swap3A_436, %swap3A_437] : memref<2x80xi32, #tpu.memory_space<vmem>> -> memref<1x80xi32, #tpu.memory_space<vmem>>
      %swap3A_439 = tpu.memref_squeeze %swap3A_438 : memref<1x80xi32, #tpu.memory_space<vmem>> -> memref<80xi32, #tpu.memory_space<vmem>>
      %swap3A_440 = arith.constant 16 : index
      %swap3A_441 = tpu.vector_load %swap3A_439[%swap3A_440] {strides = array<i32>} : memref<80xi32, #tpu.memory_space<vmem>>, vector<16xi32>,
      tpu.vector_store %swap3A_439[%swap3A_440], %add3A_435 {strides = array<i32>} : memref<80xi32, #tpu.memory_space<vmem>>, vector<16xi32>,
      %get3A_442 = arith.constant 1 : i32
      %get3A_443 = arith.constant 0 : i32
      %get3A_444 = tpu.memref_slice %arg9[%get3A_442, %get3A_443] : memref<2x80xi32, #tpu.memory_space<vmem>> -> memref<1x80xi32, #tpu.memory_space<vmem>>
      %get3A_445 = tpu.memref_squeeze %get3A_444 : memref<1x80xi32, #tpu.memory_space<vmem>> -> memref<80xi32, #tpu.memory_space<vmem>>
      %get3A_446 = arith.constant 32 : index
      %get3A_447 = tpu.vector_load %get3A_445[%get3A_446] {strides = array<i32>} : memref<80xi32, #tpu.memory_space<vmem>>, vector<16xi32>,
      %add3A_448 = arith.addi %get3A_447, %broadcast_in_dim3A : vector<16xi32>
      %swap3A_449 = arith.constant 1 : i32
      %swap3A_450 = arith.constant 0 : i32
      %swap3A_451 = tpu.memref_slice %arg9[%swap3A_449, %swap3A_450] : memref<2x80xi32, #tpu.memory_space<vmem>> -> memref<1x80xi32, #tpu.memory_space<vmem>>
      %swap3A_452 = tpu.memref_squeeze %swap3A_451 : memref<1x80xi32, #tpu.memory_space<vmem>> -> memref<80xi32, #tpu.memory_space<vmem>>
      %swap3A_453 = arith.constant 32 : index
      %swap3A_454 = tpu.vector_load %swap3A_452[%swap3A_453] {strides = array<i32>} : memref<80xi32, #tpu.memory_space<vmem>>, vector<16xi32>,
      tpu.vector_store %swap3A_452[%swap3A_453], %add3A_448 {strides = array<i32>} : memref<80xi32, #tpu.memory_space<vmem>>, vector<16xi32>,
      %get3A_455 = arith.constant 1 : i32
      %get3A_456 = arith.constant 0 : i32
      %get3A_457 = tpu.memref_slice %arg9[%get3A_455, %get3A_456] : memref<2x80xi32, #tpu.memory_space<vmem>> -> memref<1x80xi32, #tpu.memory_space<vmem>>
      %get3A_458 = tpu.memref_squeeze %get3A_457 : memref<1x80xi32, #tpu.memory_space<vmem>> -> memref<80xi32, #tpu.memory_space<vmem>>
      %get3A_459 = arith.constant 48 : index
      %get3A_460 = tpu.vector_load %get3A_458[%get3A_459] {strides = array<i32>} : memref<80xi32, #tpu.memory_space<vmem>>, vector<16xi32>,
      %add3A_461 = arith.addi %get3A_460, %broadcast_in_dim3A : vector<16xi32>
      %swap3A_462 = arith.constant 1 : i32
      %swap3A_463 = arith.constant 0 : i32
      %swap3A_464 = tpu.memref_slice %arg9[%swap3A_462, %swap3A_463] : memref<2x80xi32, #tpu.memory_space<vmem>> -> memref<1x80xi32, #tpu.memory_space<vmem>>
      %swap3A_465 = tpu.memref_squeeze %swap3A_464 : memref<1x80xi32, #tpu.memory_space<vmem>> -> memref<80xi32, #tpu.memory_space<vmem>>
      %swap3A_466 = arith.constant 48 : index
      %swap3A_467 = tpu.vector_load %swap3A_465[%swap3A_466] {strides = array<i32>} : memref<80xi32, #tpu.memory_space<vmem>>, vector<16xi32>,
      tpu.vector_store %swap3A_465[%swap3A_466], %add3A_461 {strides = array<i32>} : memref<80xi32, #tpu.memory_space<vmem>>, vector<16xi32>,
      %get3A_468 = arith.constant 1 : i32
      %get3A_469 = arith.constant 0 : i32
      %get3A_470 = tpu.memref_slice %arg9[%get3A_468, %get3A_469] : memref<2x80xi32, #tpu.memory_space<vmem>> -> memref<1x80xi32, #tpu.memory_space<vmem>>
      %get3A_471 = tpu.memref_squeeze %get3A_470 : memref<1x80xi32, #tpu.memory_space<vmem>> -> memref<80xi32, #tpu.memory_space<vmem>>
      %get3A_472 = arith.constant 64 : index
      %get3A_473 = tpu.vector_load %get3A_471[%get3A_472] {strides = array<i32>} : memref<80xi32, #tpu.memory_space<vmem>>, vector<16xi32>,
      %add3A_474 = arith.addi %get3A_473, %broadcast_in_dim3A : vector<16xi32>
      %swap3A_475 = arith.constant 1 : i32
      %swap3A_476 = arith.constant 0 : i32
      %swap3A_477 = tpu.memref_slice %arg9[%swap3A_475, %swap3A_476] : memref<2x80xi32, #tpu.memory_space<vmem>> -> memref<1x80xi32, #tpu.memory_space<vmem>>
      %swap3A_478 = tpu.memref_squeeze %swap3A_477 : memref<1x80xi32, #tpu.memory_space<vmem>> -> memref<80xi32, #tpu.memory_space<vmem>>
      %swap3A_479 = arith.constant 64 : index
      %swap3A_480 = tpu.vector_load %swap3A_478[%swap3A_479] {strides = array<i32>} : memref<80xi32, #tpu.memory_space<vmem>>, vector<16xi32>,
      tpu.vector_store %swap3A_478[%swap3A_479], %add3A_474 {strides = array<i32>} : memref<80xi32, #tpu.memory_space<vmem>>, vector<16xi32>,
      %dma_start3A_481 = arith.constant 1 : i32
      %dma_start3A_482 = arith.constant 1 : i32
      %dma_start3A_483 = arith.constant 1 : i32
      %dma_start3A_484 = arith.constant 0 : i32
      %dma_start3A_485 = arith.constant 0 : i32
      %dma_start3A_486 = tpu.memref_slice %arg10[%dma_start3A_482, %dma_start3A_484, %dma_start3A_485] : memref<2x80x129xf32, #tpu.memory_space<vmem>> -> memref<1x80x129xf32, #tpu.memory_space<vmem>>
      %dma_start3A_487 = tpu.memref_squeeze %dma_start3A_486 : memref<1x80x129xf32, #tpu.memory_space<vmem>> -> memref<80x129xf32, #tpu.memory_space<vmem>>
      %dma_start3A_488 = arith.constant 0 : i32
      %dma_start3A_489 = arith.constant 0 : i32
      %dma_start3A_490 = tpu.memref_slice %dma_start3A_487[%dma_start3A_488, %dma_start3A_489] : memref<80x129xf32, #tpu.memory_space<vmem>> -> memref<80x128xf32, #tpu.memory_space<vmem>>
      %dma_start3A_491 = arith.constant 0 : i32
      %dma_start3A_492 = tpu.memref_slice %arg9[%dma_start3A_481, %dma_start3A_491] : memref<2x80xi32, #tpu.memory_space<vmem>> -> memref<1x80xi32, #tpu.memory_space<vmem>>
      %dma_start3A_493 = tpu.memref_squeeze %dma_start3A_492 : memref<1x80xi32, #tpu.memory_space<vmem>> -> memref<80xi32, #tpu.memory_space<vmem>>
      %dma_start3A_494 = arith.constant 0 : i32
      %dma_start3A_495 = arith.constant 0 : i32
      %dma_start3A_496 = tpu.memref_slice %arg2[%dma_start3A_494, %dma_start3A_495] : memref<4128x128xf32, #tpu.memory_space<hbm>> -> memref<4128x128xf32, #tpu.memory_space<hbm>>
      %dma_start3A_497 = tpu.memref_slice %arg14[%dma_start3A_483] : memref<2x!tpu.dma_semaphore, #tpu.memory_space<semaphore_mem>> -> memref<1x!tpu.dma_semaphore, #tpu.memory_space<semaphore_mem>>
      %dma_start3A_498 = tpu.memref_squeeze %dma_start3A_497 : memref<1x!tpu.dma_semaphore, #tpu.memory_space<semaphore_mem>> -> memref<!tpu.dma_semaphore, #tpu.memory_space<semaphore_mem>>
      tpu.enqueue_indirect_dma source(%dma_start3A_496 : memref<4128x128xf32, #tpu.memory_space<hbm>>) target(%dma_start3A_490 : memref<80x128xf32, #tpu.memory_space<vmem>>) offsets(%dma_start3A_493 : memref<80xi32, #tpu.memory_space<vmem>>) semaphore(%dma_start3A_498 : memref<!tpu.dma_semaphore, #tpu.memory_space<semaphore_mem>>)
      %dma_start3A_499 = arith.constant 1 : i32
      %dma_start3A_500 = arith.constant 1 : i32
      %dma_start3A_501 = arith.constant 1 : i32
      %dma_start3A_502 = arith.constant 0 : i32
      %dma_start3A_503 = arith.constant 0 : i32
      %dma_start3A_504 = tpu.memref_slice %arg11[%dma_start3A_500, %dma_start3A_502, %dma_start3A_503] : memref<2x80x129xf32, #tpu.memory_space<vmem>> -> memref<1x80x129xf32, #tpu.memory_space<vmem>>
      %dma_start3A_505 = tpu.memref_squeeze %dma_start3A_504 : memref<1x80x129xf32, #tpu.memory_space<vmem>> -> memref<80x129xf32, #tpu.memory_space<vmem>>
      %dma_start3A_506 = arith.constant 0 : i32
      %dma_start3A_507 = arith.constant 0 : i32
      %dma_start3A_508 = tpu.memref_slice %dma_start3A_505[%dma_start3A_506, %dma_start3A_507] : memref<80x129xf32, #tpu.memory_space<vmem>> -> memref<80x128xf32, #tpu.memory_space<vmem>>
      %dma_start3A_509 = arith.constant 0 : i32
      %dma_start3A_510 = tpu.memref_slice %arg9[%dma_start3A_499, %dma_start3A_509] : memref<2x80xi32, #tpu.memory_space<vmem>> -> memref<1x80xi32, #tpu.memory_space<vmem>>
      %dma_start3A_511 = tpu.memref_squeeze %dma_start3A_510 : memref<1x80xi32, #tpu.memory_space<vmem>> -> memref<80xi32, #tpu.memory_space<vmem>>
      %dma_start3A_512 = arith.constant 0 : i32
      %dma_start3A_513 = arith.constant 0 : i32
      %dma_start3A_514 = tpu.memref_slice %arg3[%dma_start3A_512, %dma_start3A_513] : memref<4128x128xf32, #tpu.memory_space<hbm>> -> memref<4128x128xf32, #tpu.memory_space<hbm>>
      %dma_start3A_515 = tpu.memref_slice %arg14[%dma_start3A_501] : memref<2x!tpu.dma_semaphore, #tpu.memory_space<semaphore_mem>> -> memref<1x!tpu.dma_semaphore, #tpu.memory_space<semaphore_mem>>
      %dma_start3A_516 = tpu.memref_squeeze %dma_start3A_515 : memref<1x!tpu.dma_semaphore, #tpu.memory_space<semaphore_mem>> -> memref<!tpu.dma_semaphore, #tpu.memory_space<semaphore_mem>>
      tpu.enqueue_indirect_dma source(%dma_start3A_514 : memref<4128x128xf32, #tpu.memory_space<hbm>>) target(%dma_start3A_508 : memref<80x128xf32, #tpu.memory_space<vmem>>) offsets(%dma_start3A_511 : memref<80xi32, #tpu.memory_space<vmem>>) semaphore(%dma_start3A_516 : memref<!tpu.dma_semaphore, #tpu.memory_space<semaphore_mem>>)
      %add3A_517 = arith.constant 0 : i32
      %add3A_518 = arith.addi %add3A_82, %add3A_517 : i32
      %mul3A_519 = arith.constant 80 : i32
      %mul3A_520 = arith.muli %add3A_518, %mul3A_519 : i32
      %add3A_521 = arith.addi %mul3A_2, %mul3A_520 : i32
      %dma_wait3A_522 = arith.constant 0 : i32
      %dma_wait3A_523 = arith.constant 0 : i32
      %dma_wait3A_524 = arith.constant 0 : i32
      %dma_wait3A_525 = arith.constant 0 : i32
      %dma_wait3A_526 = arith.constant 0 : i32
      %dma_wait3A_527 = tpu.memref_slice %arg10[%dma_wait3A_523, %dma_wait3A_525, %dma_wait3A_526] : memref<2x80x129xf32, #tpu.memory_space<vmem>> -> memref<1x80x129xf32, #tpu.memory_space<vmem>>
      %dma_wait3A_528 = tpu.memref_squeeze %dma_wait3A_527 : memref<1x80x129xf32, #tpu.memory_space<vmem>> -> memref<80x129xf32, #tpu.memory_space<vmem>>
      %dma_wait3A_529 = arith.constant 0 : i32
      %dma_wait3A_530 = arith.constant 0 : i32
      %dma_wait3A_531 = tpu.memref_slice %dma_wait3A_528[%dma_wait3A_529, %dma_wait3A_530] : memref<80x129xf32, #tpu.memory_space<vmem>> -> memref<80x128xf32, #tpu.memory_space<vmem>>
      %dma_wait3A_532 = arith.constant 0 : i32
      %dma_wait3A_533 = tpu.memref_slice %arg9[%dma_wait3A_522, %dma_wait3A_532] : memref<2x80xi32, #tpu.memory_space<vmem>> -> memref<1x80xi32, #tpu.memory_space<vmem>>
      %dma_wait3A_534 = tpu.memref_squeeze %dma_wait3A_533 : memref<1x80xi32, #tpu.memory_space<vmem>> -> memref<80xi32, #tpu.memory_space<vmem>>
      %dma_wait3A_535 = arith.constant 0 : i32
      %dma_wait3A_536 = arith.constant 0 : i32
      %dma_wait3A_537 = tpu.memref_slice %arg2[%dma_wait3A_535, %dma_wait3A_536] : memref<4128x128xf32, #tpu.memory_space<hbm>> -> memref<4128x128xf32, #tpu.memory_space<hbm>>
      %dma_wait3A_538 = tpu.memref_slice %arg14[%dma_wait3A_524] : memref<2x!tpu.dma_semaphore, #tpu.memory_space<semaphore_mem>> -> memref<1x!tpu.dma_semaphore, #tpu.memory_space<semaphore_mem>>
      %dma_wait3A_539 = tpu.memref_squeeze %dma_wait3A_538 : memref<1x!tpu.dma_semaphore, #tpu.memory_space<semaphore_mem>> -> memref<!tpu.dma_semaphore, #tpu.memory_space<semaphore_mem>>
      tpu.wait_indirect_dma semaphore(%dma_wait3A_539 : memref<!tpu.dma_semaphore, #tpu.memory_space<semaphore_mem>>) src(%dma_wait3A_537 : memref<4128x128xf32, #tpu.memory_space<hbm>>) dst(%dma_wait3A_531 : memref<80x128xf32, #tpu.memory_space<vmem>>)
      %dma_wait3A_540 = arith.constant 0 : i32
      %dma_wait3A_541 = arith.constant 0 : i32
      %dma_wait3A_542 = arith.constant 0 : i32
      %dma_wait3A_543 = arith.constant 0 : i32
      %dma_wait3A_544 = arith.constant 0 : i32
      %dma_wait3A_545 = tpu.memref_slice %arg11[%dma_wait3A_541, %dma_wait3A_543, %dma_wait3A_544] : memref<2x80x129xf32, #tpu.memory_space<vmem>> -> memref<1x80x129xf32, #tpu.memory_space<vmem>>
      %dma_wait3A_546 = tpu.memref_squeeze %dma_wait3A_545 : memref<1x80x129xf32, #tpu.memory_space<vmem>> -> memref<80x129xf32, #tpu.memory_space<vmem>>
      %dma_wait3A_547 = arith.constant 0 : i32
      %dma_wait3A_548 = arith.constant 0 : i32
      %dma_wait3A_549 = tpu.memref_slice %dma_wait3A_546[%dma_wait3A_547, %dma_wait3A_548] : memref<80x129xf32, #tpu.memory_space<vmem>> -> memref<80x128xf32, #tpu.memory_space<vmem>>
      %dma_wait3A_550 = arith.constant 0 : i32
      %dma_wait3A_551 = tpu.memref_slice %arg9[%dma_wait3A_540, %dma_wait3A_550] : memref<2x80xi32, #tpu.memory_space<vmem>> -> memref<1x80xi32, #tpu.memory_space<vmem>>
      %dma_wait3A_552 = tpu.memref_squeeze %dma_wait3A_551 : memref<1x80xi32, #tpu.memory_space<vmem>> -> memref<80xi32, #tpu.memory_space<vmem>>
      %dma_wait3A_553 = arith.constant 0 : i32
      %dma_wait3A_554 = arith.constant 0 : i32
      %dma_wait3A_555 = tpu.memref_slice %arg3[%dma_wait3A_553, %dma_wait3A_554] : memref<4128x128xf32, #tpu.memory_space<hbm>> -> memref<4128x128xf32, #tpu.memory_space<hbm>>
      %dma_wait3A_556 = tpu.memref_slice %arg14[%dma_wait3A_542] : memref<2x!tpu.dma_semaphore, #tpu.memory_space<semaphore_mem>> -> memref<1x!tpu.dma_semaphore, #tpu.memory_space<semaphore_mem>>
      %dma_wait3A_557 = tpu.memref_squeeze %dma_wait3A_556 : memref<1x!tpu.dma_semaphore, #tpu.memory_space<semaphore_mem>> -> memref<!tpu.dma_semaphore, #tpu.memory_space<semaphore_mem>>
      tpu.wait_indirect_dma semaphore(%dma_wait3A_557 : memref<!tpu.dma_semaphore, #tpu.memory_space<semaphore_mem>>) src(%dma_wait3A_555 : memref<4128x128xf32, #tpu.memory_space<hbm>>) dst(%dma_wait3A_549 : memref<80x128xf32, #tpu.memory_space<vmem>>)
      %dma_start3A_558 = arith.constant 0 : i32
      %dma_start3A_559 = arith.constant 0 : i32
      %dma_start3A_560 = arith.constant 0 : i32
      %dma_start3A_561 = arith.constant 0 : i32
      %dma_start3A_562 = tpu.memref_slice %arg10[%dma_start3A_558, %dma_start3A_560, %dma_start3A_561] : memref<2x80x129xf32, #tpu.memory_space<vmem>> -> memref<1x80x129xf32, #tpu.memory_space<vmem>>
      %dma_start3A_563 = tpu.memref_squeeze %dma_start3A_562 : memref<1x80x129xf32, #tpu.memory_space<vmem>> -> memref<80x129xf32, #tpu.memory_space<vmem>>
      %dma_start3A_564 = arith.constant 0 : i32
      %dma_start3A_565 = tpu.memref_slice %arg7[%add3A_521, %dma_start3A_564] : memref<819200x129xf32, #tpu.memory_space<hbm>> -> memref<80x129xf32, #tpu.memory_space<hbm>>
      %dma_start3A_566 = tpu.memref_slice %arg15[%dma_start3A_559] : memref<2x!tpu.dma_semaphore, #tpu.memory_space<semaphore_mem>> -> memref<1x!tpu.dma_semaphore, #tpu.memory_space<semaphore_mem>>
      %dma_start3A_567 = tpu.memref_squeeze %dma_start3A_566 : memref<1x!tpu.dma_semaphore, #tpu.memory_space<semaphore_mem>> -> memref<!tpu.dma_semaphore, #tpu.memory_space<semaphore_mem>>
      %dma_start3A_568 = arith.constant 0 : i32
      %dma_start3A_569 = tpu.memref_slice %arg7[%add3A_521, %dma_start3A_568] : memref<819200x129xf32, #tpu.memory_space<hbm>> -> memref<80x129xf32, #tpu.memory_space<hbm>>
      %dma_start3A_570 = arith.constant 0 : i32
      %dma_start3A_571 = arith.constant 0 : i32
      %dma_start3A_572 = tpu.memref_slice %arg10[%dma_start3A_558, %dma_start3A_570, %dma_start3A_571] : memref<2x80x129xf32, #tpu.memory_space<vmem>> -> memref<1x80x129xf32, #tpu.memory_space<vmem>>
      %dma_start3A_573 = tpu.memref_squeeze %dma_start3A_572 : memref<1x80x129xf32, #tpu.memory_space<vmem>> -> memref<80x129xf32, #tpu.memory_space<vmem>>
      tpu.enqueue_dma source(%dma_start3A_573 : memref<80x129xf32, #tpu.memory_space<vmem>>) target(%dma_start3A_569 : memref<80x129xf32, #tpu.memory_space<hbm>>) target_semaphore(%dma_start3A_567 : memref<!tpu.dma_semaphore, #tpu.memory_space<semaphore_mem>>)
      %dma_start3A_574 = arith.constant 0 : i32
      %dma_start3A_575 = arith.constant 0 : i32
      %dma_start3A_576 = arith.constant 0 : i32
      %dma_start3A_577 = arith.constant 0 : i32
      %dma_start3A_578 = tpu.memref_slice %arg11[%dma_start3A_574, %dma_start3A_576, %dma_start3A_577] : memref<2x80x129xf32, #tpu.memory_space<vmem>> -> memref<1x80x129xf32, #tpu.memory_space<vmem>>
      %dma_start3A_579 = tpu.memref_squeeze %dma_start3A_578 : memref<1x80x129xf32, #tpu.memory_space<vmem>> -> memref<80x129xf32, #tpu.memory_space<vmem>>
      %dma_start3A_580 = arith.constant 0 : i32
      %dma_start3A_581 = tpu.memref_slice %arg8[%add3A_521, %dma_start3A_580] : memref<819200x129xf32, #tpu.memory_space<hbm>> -> memref<80x129xf32, #tpu.memory_space<hbm>>
      %dma_start3A_582 = tpu.memref_slice %arg15[%dma_start3A_575] : memref<2x!tpu.dma_semaphore, #tpu.memory_space<semaphore_mem>> -> memref<1x!tpu.dma_semaphore, #tpu.memory_space<semaphore_mem>>
      %dma_start3A_583 = tpu.memref_squeeze %dma_start3A_582 : memref<1x!tpu.dma_semaphore, #tpu.memory_space<semaphore_mem>> -> memref<!tpu.dma_semaphore, #tpu.memory_space<semaphore_mem>>
      %dma_start3A_584 = arith.constant 0 : i32
      %dma_start3A_585 = tpu.memref_slice %arg8[%add3A_521, %dma_start3A_584] : memref<819200x129xf32, #tpu.memory_space<hbm>> -> memref<80x129xf32, #tpu.memory_space<hbm>>
      %dma_start3A_586 = arith.constant 0 : i32
      %dma_start3A_587 = arith.constant 0 : i32
      %dma_start3A_588 = tpu.memref_slice %arg11[%dma_start3A_574, %dma_start3A_586, %dma_start3A_587] : memref<2x80x129xf32, #tpu.memory_space<vmem>> -> memref<1x80x129xf32, #tpu.memory_space<vmem>>
      %dma_start3A_589 = tpu.memref_squeeze %dma_start3A_588 : memref<1x80x129xf32, #tpu.memory_space<vmem>> -> memref<80x129xf32, #tpu.memory_space<vmem>>
      tpu.enqueue_dma source(%dma_start3A_589 : memref<80x129xf32, #tpu.memory_space<vmem>>) target(%dma_start3A_585 : memref<80x129xf32, #tpu.memory_space<hbm>>) target_semaphore(%dma_start3A_583 : memref<!tpu.dma_semaphore, #tpu.memory_space<semaphore_mem>>)
      %add3A_590 = arith.constant 1 : i32
      %add3A_591 = arith.addi %add3A_82, %add3A_590 : i32
      %mul3A_592 = arith.constant 80 : i32
      %mul3A_593 = arith.muli %add3A_591, %mul3A_592 : i32
      %add3A_594 = arith.addi %mul3A_2, %mul3A_593 : i32
      %dma_wait3A_595 = arith.constant 1 : i32
      %dma_wait3A_596 = arith.constant 1 : i32
      %dma_wait3A_597 = arith.constant 1 : i32
      %dma_wait3A_598 = arith.constant 0 : i32
      %dma_wait3A_599 = arith.constant 0 : i32
      %dma_wait3A_600 = tpu.memref_slice %arg10[%dma_wait3A_596, %dma_wait3A_598, %dma_wait3A_599] : memref<2x80x129xf32, #tpu.memory_space<vmem>> -> memref<1x80x129xf32, #tpu.memory_space<vmem>>
      %dma_wait3A_601 = tpu.memref_squeeze %dma_wait3A_600 : memref<1x80x129xf32, #tpu.memory_space<vmem>> -> memref<80x129xf32, #tpu.memory_space<vmem>>
      %dma_wait3A_602 = arith.constant 0 : i32
      %dma_wait3A_603 = arith.constant 0 : i32
      %dma_wait3A_604 = tpu.memref_slice %dma_wait3A_601[%dma_wait3A_602, %dma_wait3A_603] : memref<80x129xf32, #tpu.memory_space<vmem>> -> memref<80x128xf32, #tpu.memory_space<vmem>>
      %dma_wait3A_605 = arith.constant 0 : i32
      %dma_wait3A_606 = tpu.memref_slice %arg9[%dma_wait3A_595, %dma_wait3A_605] : memref<2x80xi32, #tpu.memory_space<vmem>> -> memref<1x80xi32, #tpu.memory_space<vmem>>
      %dma_wait3A_607 = tpu.memref_squeeze %dma_wait3A_606 : memref<1x80xi32, #tpu.memory_space<vmem>> -> memref<80xi32, #tpu.memory_space<vmem>>
      %dma_wait3A_608 = arith.constant 0 : i32
      %dma_wait3A_609 = arith.constant 0 : i32
      %dma_wait3A_610 = tpu.memref_slice %arg2[%dma_wait3A_608, %dma_wait3A_609] : memref<4128x128xf32, #tpu.memory_space<hbm>> -> memref<4128x128xf32, #tpu.memory_space<hbm>>
      %dma_wait3A_611 = tpu.memref_slice %arg14[%dma_wait3A_597] : memref<2x!tpu.dma_semaphore, #tpu.memory_space<semaphore_mem>> -> memref<1x!tpu.dma_semaphore, #tpu.memory_space<semaphore_mem>>
      %dma_wait3A_612 = tpu.memref_squeeze %dma_wait3A_611 : memref<1x!tpu.dma_semaphore, #tpu.memory_space<semaphore_mem>> -> memref<!tpu.dma_semaphore, #tpu.memory_space<semaphore_mem>>
      tpu.wait_indirect_dma semaphore(%dma_wait3A_612 : memref<!tpu.dma_semaphore, #tpu.memory_space<semaphore_mem>>) src(%dma_wait3A_610 : memref<4128x128xf32, #tpu.memory_space<hbm>>) dst(%dma_wait3A_604 : memref<80x128xf32, #tpu.memory_space<vmem>>)
      %dma_wait3A_613 = arith.constant 1 : i32
      %dma_wait3A_614 = arith.constant 1 : i32
      %dma_wait3A_615 = arith.constant 1 : i32
      %dma_wait3A_616 = arith.constant 0 : i32
      %dma_wait3A_617 = arith.constant 0 : i32
      %dma_wait3A_618 = tpu.memref_slice %arg11[%dma_wait3A_614, %dma_wait3A_616, %dma_wait3A_617] : memref<2x80x129xf32, #tpu.memory_space<vmem>> -> memref<1x80x129xf32, #tpu.memory_space<vmem>>
      %dma_wait3A_619 = tpu.memref_squeeze %dma_wait3A_618 : memref<1x80x129xf32, #tpu.memory_space<vmem>> -> memref<80x129xf32, #tpu.memory_space<vmem>>
      %dma_wait3A_620 = arith.constant 0 : i32
      %dma_wait3A_621 = arith.constant 0 : i32
      %dma_wait3A_622 = tpu.memref_slice %dma_wait3A_619[%dma_wait3A_620, %dma_wait3A_621] : memref<80x129xf32, #tpu.memory_space<vmem>> -> memref<80x128xf32, #tpu.memory_space<vmem>>
      %dma_wait3A_623 = arith.constant 0 : i32
      %dma_wait3A_624 = tpu.memref_slice %arg9[%dma_wait3A_613, %dma_wait3A_623] : memref<2x80xi32, #tpu.memory_space<vmem>> -> memref<1x80xi32, #tpu.memory_space<vmem>>
      %dma_wait3A_625 = tpu.memref_squeeze %dma_wait3A_624 : memref<1x80xi32, #tpu.memory_space<vmem>> -> memref<80xi32, #tpu.memory_space<vmem>>
      %dma_wait3A_626 = arith.constant 0 : i32
      %dma_wait3A_627 = arith.constant 0 : i32
      %dma_wait3A_628 = tpu.memref_slice %arg3[%dma_wait3A_626, %dma_wait3A_627] : memref<4128x128xf32, #tpu.memory_space<hbm>> -> memref<4128x128xf32, #tpu.memory_space<hbm>>
      %dma_wait3A_629 = tpu.memref_slice %arg14[%dma_wait3A_615] : memref<2x!tpu.dma_semaphore, #tpu.memory_space<semaphore_mem>> -> memref<1x!tpu.dma_semaphore, #tpu.memory_space<semaphore_mem>>
      %dma_wait3A_630 = tpu.memref_squeeze %dma_wait3A_629 : memref<1x!tpu.dma_semaphore, #tpu.memory_space<semaphore_mem>> -> memref<!tpu.dma_semaphore, #tpu.memory_space<semaphore_mem>>
      tpu.wait_indirect_dma semaphore(%dma_wait3A_630 : memref<!tpu.dma_semaphore, #tpu.memory_space<semaphore_mem>>) src(%dma_wait3A_628 : memref<4128x128xf32, #tpu.memory_space<hbm>>) dst(%dma_wait3A_622 : memref<80x128xf32, #tpu.memory_space<vmem>>)
      %dma_start3A_631 = arith.constant 1 : i32
      %dma_start3A_632 = arith.constant 1 : i32
      %dma_start3A_633 = arith.constant 0 : i32
      %dma_start3A_634 = arith.constant 0 : i32
      %dma_start3A_635 = tpu.memref_slice %arg10[%dma_start3A_631, %dma_start3A_633, %dma_start3A_634] : memref<2x80x129xf32, #tpu.memory_space<vmem>> -> memref<1x80x129xf32, #tpu.memory_space<vmem>>
      %dma_start3A_636 = tpu.memref_squeeze %dma_start3A_635 : memref<1x80x129xf32, #tpu.memory_space<vmem>> -> memref<80x129xf32, #tpu.memory_space<vmem>>
      %dma_start3A_637 = arith.constant 0 : i32
      %dma_start3A_638 = tpu.memref_slice %arg7[%add3A_594, %dma_start3A_637] : memref<819200x129xf32, #tpu.memory_space<hbm>> -> memref<80x129xf32, #tpu.memory_space<hbm>>
      %dma_start3A_639 = tpu.memref_slice %arg15[%dma_start3A_632] : memref<2x!tpu.dma_semaphore, #tpu.memory_space<semaphore_mem>> -> memref<1x!tpu.dma_semaphore, #tpu.memory_space<semaphore_mem>>
      %dma_start3A_640 = tpu.memref_squeeze %dma_start3A_639 : memref<1x!tpu.dma_semaphore, #tpu.memory_space<semaphore_mem>> -> memref<!tpu.dma_semaphore, #tpu.memory_space<semaphore_mem>>
      %dma_start3A_641 = arith.constant 0 : i32
      %dma_start3A_642 = tpu.memref_slice %arg7[%add3A_594, %dma_start3A_641] : memref<819200x129xf32, #tpu.memory_space<hbm>> -> memref<80x129xf32, #tpu.memory_space<hbm>>
      %dma_start3A_643 = arith.constant 0 : i32
      %dma_start3A_644 = arith.constant 0 : i32
      %dma_start3A_645 = tpu.memref_slice %arg10[%dma_start3A_631, %dma_start3A_643, %dma_start3A_644] : memref<2x80x129xf32, #tpu.memory_space<vmem>> -> memref<1x80x129xf32, #tpu.memory_space<vmem>>
      %dma_start3A_646 = tpu.memref_squeeze %dma_start3A_645 : memref<1x80x129xf32, #tpu.memory_space<vmem>> -> memref<80x129xf32, #tpu.memory_space<vmem>>
      tpu.enqueue_dma source(%dma_start3A_646 : memref<80x129xf32, #tpu.memory_space<vmem>>) target(%dma_start3A_642 : memref<80x129xf32, #tpu.memory_space<hbm>>) target_semaphore(%dma_start3A_640 : memref<!tpu.dma_semaphore, #tpu.memory_space<semaphore_mem>>)
      %dma_start3A_647 = arith.constant 1 : i32
      %dma_start3A_648 = arith.constant 1 : i32
      %dma_start3A_649 = arith.constant 0 : i32
      %dma_start3A_650 = arith.constant 0 : i32
      %dma_start3A_651 = tpu.memref_slice %arg11[%dma_start3A_647, %dma_start3A_649, %dma_start3A_650] : memref<2x80x129xf32, #tpu.memory_space<vmem>> -> memref<1x80x129xf32, #tpu.memory_space<vmem>>
      %dma_start3A_652 = tpu.memref_squeeze %dma_start3A_651 : memref<1x80x129xf32, #tpu.memory_space<vmem>> -> memref<80x129xf32, #tpu.memory_space<vmem>>
      %dma_start3A_653 = arith.constant 0 : i32
      %dma_start3A_654 = tpu.memref_slice %arg8[%add3A_594, %dma_start3A_653] : memref<819200x129xf32, #tpu.memory_space<hbm>> -> memref<80x129xf32, #tpu.memory_space<hbm>>
      %dma_start3A_655 = tpu.memref_slice %arg15[%dma_start3A_648] : memref<2x!tpu.dma_semaphore, #tpu.memory_space<semaphore_mem>> -> memref<1x!tpu.dma_semaphore, #tpu.memory_space<semaphore_mem>>
      %dma_start3A_656 = tpu.memref_squeeze %dma_start3A_655 : memref<1x!tpu.dma_semaphore, #tpu.memory_space<semaphore_mem>> -> memref<!tpu.dma_semaphore, #tpu.memory_space<semaphore_mem>>
      %dma_start3A_657 = arith.constant 0 : i32
      %dma_start3A_658 = tpu.memref_slice %arg8[%add3A_594, %dma_start3A_657] : memref<819200x129xf32, #tpu.memory_space<hbm>> -> memref<80x129xf32, #tpu.memory_space<hbm>>
      %dma_start3A_659 = arith.constant 0 : i32
      %dma_start3A_660 = arith.constant 0 : i32
      %dma_start3A_661 = tpu.memref_slice %arg11[%dma_start3A_647, %dma_start3A_659, %dma_start3A_660] : memref<2x80x129xf32, #tpu.memory_space<vmem>> -> memref<1x80x129xf32, #tpu.memory_space<vmem>>
      %dma_start3A_662 = tpu.memref_squeeze %dma_start3A_661 : memref<1x80x129xf32, #tpu.memory_space<vmem>> -> memref<80x129xf32, #tpu.memory_space<vmem>>
      tpu.enqueue_dma source(%dma_start3A_662 : memref<80x129xf32, #tpu.memory_space<vmem>>) target(%dma_start3A_658 : memref<80x129xf32, #tpu.memory_space<hbm>>) target_semaphore(%dma_start3A_656 : memref<!tpu.dma_semaphore, #tpu.memory_space<semaphore_mem>>)
    }
    %scan3A_10 = arith.constant 160 : i32
    %add3A_11 = arith.constant 0 : i32
    %add3A_12 = arith.addi %mul3A_2, %add3A_11 : i32
    %dma_wait3A = arith.constant 0 : i32
    %dma_wait3A_13 = arith.constant 0 : i32
    %dma_wait3A_14 = arith.constant 0 : i32
    %dma_wait3A_15 = arith.constant 0 : i32
    %dma_wait3A_16 = tpu.memref_slice %arg10[%dma_wait3A, %dma_wait3A_14, %dma_wait3A_15] : memref<2x80x129xf32, #tpu.memory_space<vmem>> -> memref<1x80x129xf32, #tpu.memory_space<vmem>>
    %dma_wait3A_17 = tpu.memref_squeeze %dma_wait3A_16 : memref<1x80x129xf32, #tpu.memory_space<vmem>> -> memref<80x129xf32, #tpu.memory_space<vmem>>
    %dma_wait3A_18 = arith.constant 0 : i32
    %dma_wait3A_19 = tpu.memref_slice %arg7[%add3A_12, %dma_wait3A_18] : memref<819200x129xf32, #tpu.memory_space<hbm>> -> memref<80x129xf32, #tpu.memory_space<hbm>>
    %dma_wait3A_20 = tpu.memref_slice %arg15[%dma_wait3A_13] : memref<2x!tpu.dma_semaphore, #tpu.memory_space<semaphore_mem>> -> memref<1x!tpu.dma_semaphore, #tpu.memory_space<semaphore_mem>>
    %dma_wait3A_21 = tpu.memref_squeeze %dma_wait3A_20 : memref<1x!tpu.dma_semaphore, #tpu.memory_space<semaphore_mem>> -> memref<!tpu.dma_semaphore, #tpu.memory_space<semaphore_mem>>
    %dma_wait3A_22 = arith.constant 0 : i32
    %dma_wait3A_23 = tpu.memref_slice %arg7[%add3A_12, %dma_wait3A_22] : memref<819200x129xf32, #tpu.memory_space<hbm>> -> memref<80x129xf32, #tpu.memory_space<hbm>>
    %dma_wait3A_24 = arith.constant 0 : i32
    %dma_wait3A_25 = arith.constant 0 : i32
    %dma_wait3A_26 = tpu.memref_slice %arg10[%dma_wait3A, %dma_wait3A_24, %dma_wait3A_25] : memref<2x80x129xf32, #tpu.memory_space<vmem>> -> memref<1x80x129xf32, #tpu.memory_space<vmem>>
    %dma_wait3A_27 = tpu.memref_squeeze %dma_wait3A_26 : memref<1x80x129xf32, #tpu.memory_space<vmem>> -> memref<80x129xf32, #tpu.memory_space<vmem>>
    tpu.wait_dma2 semaphore(%dma_wait3A_21 : memref<!tpu.dma_semaphore, #tpu.memory_space<semaphore_mem>>) src(%dma_wait3A_27 : memref<80x129xf32, #tpu.memory_space<vmem>>) dst(%dma_wait3A_23 : memref<80x129xf32, #tpu.memory_space<hbm>>)
    %dma_wait3A_28 = arith.constant 0 : i32
    %dma_wait3A_29 = arith.constant 0 : i32
    %dma_wait3A_30 = arith.constant 0 : i32
    %dma_wait3A_31 = arith.constant 0 : i32
    %dma_wait3A_32 = tpu.memref_slice %arg11[%dma_wait3A_28, %dma_wait3A_30, %dma_wait3A_31] : memref<2x80x129xf32, #tpu.memory_space<vmem>> -> memref<1x80x129xf32, #tpu.memory_space<vmem>>
    %dma_wait3A_33 = tpu.memref_squeeze %dma_wait3A_32 : memref<1x80x129xf32, #tpu.memory_space<vmem>> -> memref<80x129xf32, #tpu.memory_space<vmem>>
    %dma_wait3A_34 = arith.constant 0 : i32
    %dma_wait3A_35 = tpu.memref_slice %arg8[%add3A_12, %dma_wait3A_34] : memref<819200x129xf32, #tpu.memory_space<hbm>> -> memref<80x129xf32, #tpu.memory_space<hbm>>
    %dma_wait3A_36 = tpu.memref_slice %arg15[%dma_wait3A_29] : memref<2x!tpu.dma_semaphore, #tpu.memory_space<semaphore_mem>> -> memref<1x!tpu.dma_semaphore, #tpu.memory_space<semaphore_mem>>
    %dma_wait3A_37 = tpu.memref_squeeze %dma_wait3A_36 : memref<1x!tpu.dma_semaphore, #tpu.memory_space<semaphore_mem>> -> memref<!tpu.dma_semaphore, #tpu.memory_space<semaphore_mem>>
    %dma_wait3A_38 = arith.constant 0 : i32
    %dma_wait3A_39 = tpu.memref_slice %arg8[%add3A_12, %dma_wait3A_38] : memref<819200x129xf32, #tpu.memory_space<hbm>> -> memref<80x129xf32, #tpu.memory_space<hbm>>
    %dma_wait3A_40 = arith.constant 0 : i32
    %dma_wait3A_41 = arith.constant 0 : i32
    %dma_wait3A_42 = tpu.memref_slice %arg11[%dma_wait3A_28, %dma_wait3A_40, %dma_wait3A_41] : memref<2x80x129xf32, #tpu.memory_space<vmem>> -> memref<1x80x129xf32, #tpu.memory_space<vmem>>
    %dma_wait3A_43 = tpu.memref_squeeze %dma_wait3A_42 : memref<1x80x129xf32, #tpu.memory_space<vmem>> -> memref<80x129xf32, #tpu.memory_space<vmem>>
    tpu.wait_dma2 semaphore(%dma_wait3A_37 : memref<!tpu.dma_semaphore, #tpu.memory_space<semaphore_mem>>) src(%dma_wait3A_43 : memref<80x129xf32, #tpu.memory_space<vmem>>) dst(%dma_wait3A_39 : memref<80x129xf32, #tpu.memory_space<hbm>>)
    %add3A_44 = arith.constant 80 : i32
    %add3A_45 = arith.addi %mul3A_2, %add3A_44 : i32
    %dma_wait3A_46 = arith.constant 1 : i32
    %dma_wait3A_47 = arith.constant 1 : i32
    %dma_wait3A_48 = arith.constant 0 : i32
    %dma_wait3A_49 = arith.constant 0 : i32
    %dma_wait3A_50 = tpu.memref_slice %arg10[%dma_wait3A_46, %dma_wait3A_48, %dma_wait3A_49] : memref<2x80x129xf32, #tpu.memory_space<vmem>> -> memref<1x80x129xf32, #tpu.memory_space<vmem>>
    %dma_wait3A_51 = tpu.memref_squeeze %dma_wait3A_50 : memref<1x80x129xf32, #tpu.memory_space<vmem>> -> memref<80x129xf32, #tpu.memory_space<vmem>>
    %dma_wait3A_52 = arith.constant 0 : i32
    %dma_wait3A_53 = tpu.memref_slice %arg7[%add3A_45, %dma_wait3A_52] : memref<819200x129xf32, #tpu.memory_space<hbm>> -> memref<80x129xf32, #tpu.memory_space<hbm>>
    %dma_wait3A_54 = tpu.memref_slice %arg15[%dma_wait3A_47] : memref<2x!tpu.dma_semaphore, #tpu.memory_space<semaphore_mem>> -> memref<1x!tpu.dma_semaphore, #tpu.memory_space<semaphore_mem>>
    %dma_wait3A_55 = tpu.memref_squeeze %dma_wait3A_54 : memref<1x!tpu.dma_semaphore, #tpu.memory_space<semaphore_mem>> -> memref<!tpu.dma_semaphore, #tpu.memory_space<semaphore_mem>>
    %dma_wait3A_56 = arith.constant 0 : i32
    %dma_wait3A_57 = tpu.memref_slice %arg7[%add3A_45, %dma_wait3A_56] : memref<819200x129xf32, #tpu.memory_space<hbm>> -> memref<80x129xf32, #tpu.memory_space<hbm>>
    %dma_wait3A_58 = arith.constant 0 : i32
    %dma_wait3A_59 = arith.constant 0 : i32
    %dma_wait3A_60 = tpu.memref_slice %arg10[%dma_wait3A_46, %dma_wait3A_58, %dma_wait3A_59] : memref<2x80x129xf32, #tpu.memory_space<vmem>> -> memref<1x80x129xf32, #tpu.memory_space<vmem>>
    %dma_wait3A_61 = tpu.memref_squeeze %dma_wait3A_60 : memref<1x80x129xf32, #tpu.memory_space<vmem>> -> memref<80x129xf32, #tpu.memory_space<vmem>>
    tpu.wait_dma2 semaphore(%dma_wait3A_55 : memref<!tpu.dma_semaphore, #tpu.memory_space<semaphore_mem>>) src(%dma_wait3A_61 : memref<80x129xf32, #tpu.memory_space<vmem>>) dst(%dma_wait3A_57 : memref<80x129xf32, #tpu.memory_space<hbm>>)
    %dma_wait3A_62 = arith.constant 1 : i32
    %dma_wait3A_63 = arith.constant 1 : i32
    %dma_wait3A_64 = arith.constant 0 : i32
    %dma_wait3A_65 = arith.constant 0 : i32
    %dma_wait3A_66 = tpu.memref_slice %arg11[%dma_wait3A_62, %dma_wait3A_64, %dma_wait3A_65] : memref<2x80x129xf32, #tpu.memory_space<vmem>> -> memref<1x80x129xf32, #tpu.memory_space<vmem>>
    %dma_wait3A_67 = tpu.memref_squeeze %dma_wait3A_66 : memref<1x80x129xf32, #tpu.memory_space<vmem>> -> memref<80x129xf32, #tpu.memory_space<vmem>>
    %dma_wait3A_68 = arith.constant 0 : i32
    %dma_wait3A_69 = tpu.memref_slice %arg8[%add3A_45, %dma_wait3A_68] : memref<819200x129xf32, #tpu.memory_space<hbm>> -> memref<80x129xf32, #tpu.memory_space<hbm>>
    %dma_wait3A_70 = tpu.memref_slice %arg15[%dma_wait3A_63] : memref<2x!tpu.dma_semaphore, #tpu.memory_space<semaphore_mem>> -> memref<1x!tpu.dma_semaphore, #tpu.memory_space<semaphore_mem>>
    %dma_wait3A_71 = tpu.memref_squeeze %dma_wait3A_70 : memref<1x!tpu.dma_semaphore, #tpu.memory_space<semaphore_mem>> -> memref<!tpu.dma_semaphore, #tpu.memory_space<semaphore_mem>>
    %dma_wait3A_72 = arith.constant 0 : i32
    %dma_wait3A_73 = tpu.memref_slice %arg8[%add3A_45, %dma_wait3A_72] : memref<819200x129xf32, #tpu.memory_space<hbm>> -> memref<80x129xf32, #tpu.memory_space<hbm>>
    %dma_wait3A_74 = arith.constant 0 : i32
    %dma_wait3A_75 = arith.constant 0 : i32
    %dma_wait3A_76 = tpu.memref_slice %arg11[%dma_wait3A_62, %dma_wait3A_74, %dma_wait3A_75] : memref<2x80x129xf32, #tpu.memory_space<vmem>> -> memref<1x80x129xf32, #tpu.memory_space<vmem>>
    %dma_wait3A_77 = tpu.memref_squeeze %dma_wait3A_76 : memref<1x80x129xf32, #tpu.memory_space<vmem>> -> memref<80x129xf32, #tpu.memory_space<vmem>>
    tpu.wait_dma2 semaphore(%dma_wait3A_71 : memref<!tpu.dma_semaphore, #tpu.memory_space<semaphore_mem>>) src(%dma_wait3A_77 : memref<80x129xf32, #tpu.memory_space<vmem>>) dst(%dma_wait3A_73 : memref<80x129xf32, #tpu.memory_space<hbm>>)
    return
  }
}

module attributes {stable_mosaic.version = 14 : i64} {
  func.func @_exp_split_body(%arg0: memref<129x129xf32, #tpu.memory_space<vmem>>, %arg1: memref<129x129xf32, #tpu.memory_space<vmem>>, %arg2: memref<4128x128xf32, #tpu.memory_space<vmem>>, %arg3: memref<4128x128xf32, #tpu.memory_space<vmem>>, %arg4: memref<144xf32, #tpu.memory_space<vmem>>, %arg5: memref<144xf32, #tpu.memory_space<vmem>>) attributes {dimension_semantics = [], scalar_prefetch = 0 : i64, scratch_operands = 0 : i64, tpu.core_type = #tpu.core_type<tc>} {
    %get3A = arith.constant 0 : index
    %get3A_0 = arith.constant 0 : index
    %get3A_1 = vector.load %arg0[%get3A, %get3A_0] : memref<129x129xf32, #tpu.memory_space<vmem>>, vector<129x128xf32>
    %exp3A = math.exp %get3A_1 : vector<129x128xf32>
    %get3A_2 = arith.constant 0 : index
    %get3A_3 = arith.constant 0 : index
    %get3A_4 = vector.load %arg1[%get3A_2, %get3A_3] : memref<129x129xf32, #tpu.memory_space<vmem>>, vector<129x128xf32>
    %exp3A_5 = math.exp %get3A_4 : vector<129x128xf32>
    %swap3A = arith.constant 0 : index
    %swap3A_6 = arith.constant 0 : index
    %swap3A_7 = vector.load %arg2[%swap3A, %swap3A_6] : memref<4128x128xf32, #tpu.memory_space<vmem>>, vector<129x128xf32>
    tpu.vector_store %arg2[%swap3A, %swap3A_6], %exp3A {strides = array<i32>} : memref<4128x128xf32, #tpu.memory_space<vmem>>, vector<129x128xf32>,
    %swap3A_8 = arith.constant 0 : index
    %swap3A_9 = arith.constant 0 : index
    %swap3A_10 = vector.load %arg3[%swap3A_8, %swap3A_9] : memref<4128x128xf32, #tpu.memory_space<vmem>>, vector<129x128xf32>
    tpu.vector_store %arg3[%swap3A_8, %swap3A_9], %exp3A_5 {strides = array<i32>} : memref<4128x128xf32, #tpu.memory_space<vmem>>, vector<129x128xf32>,
    %swap3A_11 = arith.constant 129 : index
    %swap3A_12 = arith.constant 0 : index
    %swap3A_13 = vector.load %arg2[%swap3A_11, %swap3A_12] : memref<4128x128xf32, #tpu.memory_space<vmem>>, vector<129x128xf32>
    tpu.vector_store %arg2[%swap3A_11, %swap3A_12], %exp3A {strides = array<i32>} : memref<4128x128xf32, #tpu.memory_space<vmem>>, vector<129x128xf32>,
    %swap3A_14 = arith.constant 129 : index
    %swap3A_15 = arith.constant 0 : index
    %swap3A_16 = vector.load %arg3[%swap3A_14, %swap3A_15] : memref<4128x128xf32, #tpu.memory_space<vmem>>, vector<129x128xf32>
    tpu.vector_store %arg3[%swap3A_14, %swap3A_15], %exp3A_5 {strides = array<i32>} : memref<4128x128xf32, #tpu.memory_space<vmem>>, vector<129x128xf32>,
    %swap3A_17 = arith.constant 258 : index
    %swap3A_18 = arith.constant 0 : index
    %swap3A_19 = vector.load %arg2[%swap3A_17, %swap3A_18] : memref<4128x128xf32, #tpu.memory_space<vmem>>, vector<129x128xf32>
    tpu.vector_store %arg2[%swap3A_17, %swap3A_18], %exp3A {strides = array<i32>} : memref<4128x128xf32, #tpu.memory_space<vmem>>, vector<129x128xf32>,
    %swap3A_20 = arith.constant 258 : index
    %swap3A_21 = arith.constant 0 : index
    %swap3A_22 = vector.load %arg3[%swap3A_20, %swap3A_21] : memref<4128x128xf32, #tpu.memory_space<vmem>>, vector<129x128xf32>
    tpu.vector_store %arg3[%swap3A_20, %swap3A_21], %exp3A_5 {strides = array<i32>} : memref<4128x128xf32, #tpu.memory_space<vmem>>, vector<129x128xf32>,
    %swap3A_23 = arith.constant 387 : index
    %swap3A_24 = arith.constant 0 : index
    %swap3A_25 = vector.load %arg2[%swap3A_23, %swap3A_24] : memref<4128x128xf32, #tpu.memory_space<vmem>>, vector<129x128xf32>
    tpu.vector_store %arg2[%swap3A_23, %swap3A_24], %exp3A {strides = array<i32>} : memref<4128x128xf32, #tpu.memory_space<vmem>>, vector<129x128xf32>,
    %swap3A_26 = arith.constant 387 : index
    %swap3A_27 = arith.constant 0 : index
    %swap3A_28 = vector.load %arg3[%swap3A_26, %swap3A_27] : memref<4128x128xf32, #tpu.memory_space<vmem>>, vector<129x128xf32>
    tpu.vector_store %arg3[%swap3A_26, %swap3A_27], %exp3A_5 {strides = array<i32>} : memref<4128x128xf32, #tpu.memory_space<vmem>>, vector<129x128xf32>,
    %swap3A_29 = arith.constant 516 : index
    %swap3A_30 = arith.constant 0 : index
    %swap3A_31 = vector.load %arg2[%swap3A_29, %swap3A_30] : memref<4128x128xf32, #tpu.memory_space<vmem>>, vector<129x128xf32>
    tpu.vector_store %arg2[%swap3A_29, %swap3A_30], %exp3A {strides = array<i32>} : memref<4128x128xf32, #tpu.memory_space<vmem>>, vector<129x128xf32>,
    %swap3A_32 = arith.constant 516 : index
    %swap3A_33 = arith.constant 0 : index
    %swap3A_34 = vector.load %arg3[%swap3A_32, %swap3A_33] : memref<4128x128xf32, #tpu.memory_space<vmem>>, vector<129x128xf32>
    tpu.vector_store %arg3[%swap3A_32, %swap3A_33], %exp3A_5 {strides = array<i32>} : memref<4128x128xf32, #tpu.memory_space<vmem>>, vector<129x128xf32>,
    %swap3A_35 = arith.constant 645 : index
    %swap3A_36 = arith.constant 0 : index
    %swap3A_37 = vector.load %arg2[%swap3A_35, %swap3A_36] : memref<4128x128xf32, #tpu.memory_space<vmem>>, vector<129x128xf32>
    tpu.vector_store %arg2[%swap3A_35, %swap3A_36], %exp3A {strides = array<i32>} : memref<4128x128xf32, #tpu.memory_space<vmem>>, vector<129x128xf32>,
    %swap3A_38 = arith.constant 645 : index
    %swap3A_39 = arith.constant 0 : index
    %swap3A_40 = vector.load %arg3[%swap3A_38, %swap3A_39] : memref<4128x128xf32, #tpu.memory_space<vmem>>, vector<129x128xf32>
    tpu.vector_store %arg3[%swap3A_38, %swap3A_39], %exp3A_5 {strides = array<i32>} : memref<4128x128xf32, #tpu.memory_space<vmem>>, vector<129x128xf32>,
    %swap3A_41 = arith.constant 774 : index
    %swap3A_42 = arith.constant 0 : index
    %swap3A_43 = vector.load %arg2[%swap3A_41, %swap3A_42] : memref<4128x128xf32, #tpu.memory_space<vmem>>, vector<129x128xf32>
    tpu.vector_store %arg2[%swap3A_41, %swap3A_42], %exp3A {strides = array<i32>} : memref<4128x128xf32, #tpu.memory_space<vmem>>, vector<129x128xf32>,
    %swap3A_44 = arith.constant 774 : index
    %swap3A_45 = arith.constant 0 : index
    %swap3A_46 = vector.load %arg3[%swap3A_44, %swap3A_45] : memref<4128x128xf32, #tpu.memory_space<vmem>>, vector<129x128xf32>
    tpu.vector_store %arg3[%swap3A_44, %swap3A_45], %exp3A_5 {strides = array<i32>} : memref<4128x128xf32, #tpu.memory_space<vmem>>, vector<129x128xf32>,
    %swap3A_47 = arith.constant 903 : index
    %swap3A_48 = arith.constant 0 : index
    %swap3A_49 = vector.load %arg2[%swap3A_47, %swap3A_48] : memref<4128x128xf32, #tpu.memory_space<vmem>>, vector<129x128xf32>
    tpu.vector_store %arg2[%swap3A_47, %swap3A_48], %exp3A {strides = array<i32>} : memref<4128x128xf32, #tpu.memory_space<vmem>>, vector<129x128xf32>,
    %swap3A_50 = arith.constant 903 : index
    %swap3A_51 = arith.constant 0 : index
    %swap3A_52 = vector.load %arg3[%swap3A_50, %swap3A_51] : memref<4128x128xf32, #tpu.memory_space<vmem>>, vector<129x128xf32>
    tpu.vector_store %arg3[%swap3A_50, %swap3A_51], %exp3A_5 {strides = array<i32>} : memref<4128x128xf32, #tpu.memory_space<vmem>>, vector<129x128xf32>,
    %swap3A_53 = arith.constant 1032 : index
    %swap3A_54 = arith.constant 0 : index
    %swap3A_55 = vector.load %arg2[%swap3A_53, %swap3A_54] : memref<4128x128xf32, #tpu.memory_space<vmem>>, vector<129x128xf32>
    tpu.vector_store %arg2[%swap3A_53, %swap3A_54], %exp3A {strides = array<i32>} : memref<4128x128xf32, #tpu.memory_space<vmem>>, vector<129x128xf32>,
    %swap3A_56 = arith.constant 1032 : index
    %swap3A_57 = arith.constant 0 : index
    %swap3A_58 = vector.load %arg3[%swap3A_56, %swap3A_57] : memref<4128x128xf32, #tpu.memory_space<vmem>>, vector<129x128xf32>
    tpu.vector_store %arg3[%swap3A_56, %swap3A_57], %exp3A_5 {strides = array<i32>} : memref<4128x128xf32, #tpu.memory_space<vmem>>, vector<129x128xf32>,
    %swap3A_59 = arith.constant 1161 : index
    %swap3A_60 = arith.constant 0 : index
    %swap3A_61 = vector.load %arg2[%swap3A_59, %swap3A_60] : memref<4128x128xf32, #tpu.memory_space<vmem>>, vector<129x128xf32>
    tpu.vector_store %arg2[%swap3A_59, %swap3A_60], %exp3A {strides = array<i32>} : memref<4128x128xf32, #tpu.memory_space<vmem>>, vector<129x128xf32>,
    %swap3A_62 = arith.constant 1161 : index
    %swap3A_63 = arith.constant 0 : index
    %swap3A_64 = vector.load %arg3[%swap3A_62, %swap3A_63] : memref<4128x128xf32, #tpu.memory_space<vmem>>, vector<129x128xf32>
    tpu.vector_store %arg3[%swap3A_62, %swap3A_63], %exp3A_5 {strides = array<i32>} : memref<4128x128xf32, #tpu.memory_space<vmem>>, vector<129x128xf32>,
    %swap3A_65 = arith.constant 1290 : index
    %swap3A_66 = arith.constant 0 : index
    %swap3A_67 = vector.load %arg2[%swap3A_65, %swap3A_66] : memref<4128x128xf32, #tpu.memory_space<vmem>>, vector<129x128xf32>
    tpu.vector_store %arg2[%swap3A_65, %swap3A_66], %exp3A {strides = array<i32>} : memref<4128x128xf32, #tpu.memory_space<vmem>>, vector<129x128xf32>,
    %swap3A_68 = arith.constant 1290 : index
    %swap3A_69 = arith.constant 0 : index
    %swap3A_70 = vector.load %arg3[%swap3A_68, %swap3A_69] : memref<4128x128xf32, #tpu.memory_space<vmem>>, vector<129x128xf32>
    tpu.vector_store %arg3[%swap3A_68, %swap3A_69], %exp3A_5 {strides = array<i32>} : memref<4128x128xf32, #tpu.memory_space<vmem>>, vector<129x128xf32>,
    %swap3A_71 = arith.constant 1419 : index
    %swap3A_72 = arith.constant 0 : index
    %swap3A_73 = vector.load %arg2[%swap3A_71, %swap3A_72] : memref<4128x128xf32, #tpu.memory_space<vmem>>, vector<129x128xf32>
    tpu.vector_store %arg2[%swap3A_71, %swap3A_72], %exp3A {strides = array<i32>} : memref<4128x128xf32, #tpu.memory_space<vmem>>, vector<129x128xf32>,
    %swap3A_74 = arith.constant 1419 : index
    %swap3A_75 = arith.constant 0 : index
    %swap3A_76 = vector.load %arg3[%swap3A_74, %swap3A_75] : memref<4128x128xf32, #tpu.memory_space<vmem>>, vector<129x128xf32>
    tpu.vector_store %arg3[%swap3A_74, %swap3A_75], %exp3A_5 {strides = array<i32>} : memref<4128x128xf32, #tpu.memory_space<vmem>>, vector<129x128xf32>,
    %swap3A_77 = arith.constant 1548 : index
    %swap3A_78 = arith.constant 0 : index
    %swap3A_79 = vector.load %arg2[%swap3A_77, %swap3A_78] : memref<4128x128xf32, #tpu.memory_space<vmem>>, vector<129x128xf32>
    tpu.vector_store %arg2[%swap3A_77, %swap3A_78], %exp3A {strides = array<i32>} : memref<4128x128xf32, #tpu.memory_space<vmem>>, vector<129x128xf32>,
    %swap3A_80 = arith.constant 1548 : index
    %swap3A_81 = arith.constant 0 : index
    %swap3A_82 = vector.load %arg3[%swap3A_80, %swap3A_81] : memref<4128x128xf32, #tpu.memory_space<vmem>>, vector<129x128xf32>
    tpu.vector_store %arg3[%swap3A_80, %swap3A_81], %exp3A_5 {strides = array<i32>} : memref<4128x128xf32, #tpu.memory_space<vmem>>, vector<129x128xf32>,
    %swap3A_83 = arith.constant 1677 : index
    %swap3A_84 = arith.constant 0 : index
    %swap3A_85 = vector.load %arg2[%swap3A_83, %swap3A_84] : memref<4128x128xf32, #tpu.memory_space<vmem>>, vector<129x128xf32>
    tpu.vector_store %arg2[%swap3A_83, %swap3A_84], %exp3A {strides = array<i32>} : memref<4128x128xf32, #tpu.memory_space<vmem>>, vector<129x128xf32>,
    %swap3A_86 = arith.constant 1677 : index
    %swap3A_87 = arith.constant 0 : index
    %swap3A_88 = vector.load %arg3[%swap3A_86, %swap3A_87] : memref<4128x128xf32, #tpu.memory_space<vmem>>, vector<129x128xf32>
    tpu.vector_store %arg3[%swap3A_86, %swap3A_87], %exp3A_5 {strides = array<i32>} : memref<4128x128xf32, #tpu.memory_space<vmem>>, vector<129x128xf32>,
    %swap3A_89 = arith.constant 1806 : index
    %swap3A_90 = arith.constant 0 : index
    %swap3A_91 = vector.load %arg2[%swap3A_89, %swap3A_90] : memref<4128x128xf32, #tpu.memory_space<vmem>>, vector<129x128xf32>
    tpu.vector_store %arg2[%swap3A_89, %swap3A_90], %exp3A {strides = array<i32>} : memref<4128x128xf32, #tpu.memory_space<vmem>>, vector<129x128xf32>,
    %swap3A_92 = arith.constant 1806 : index
    %swap3A_93 = arith.constant 0 : index
    %swap3A_94 = vector.load %arg3[%swap3A_92, %swap3A_93] : memref<4128x128xf32, #tpu.memory_space<vmem>>, vector<129x128xf32>
    tpu.vector_store %arg3[%swap3A_92, %swap3A_93], %exp3A_5 {strides = array<i32>} : memref<4128x128xf32, #tpu.memory_space<vmem>>, vector<129x128xf32>,
    %swap3A_95 = arith.constant 1935 : index
    %swap3A_96 = arith.constant 0 : index
    %swap3A_97 = vector.load %arg2[%swap3A_95, %swap3A_96] : memref<4128x128xf32, #tpu.memory_space<vmem>>, vector<129x128xf32>
    tpu.vector_store %arg2[%swap3A_95, %swap3A_96], %exp3A {strides = array<i32>} : memref<4128x128xf32, #tpu.memory_space<vmem>>, vector<129x128xf32>,
    %swap3A_98 = arith.constant 1935 : index
    %swap3A_99 = arith.constant 0 : index
    %swap3A_100 = vector.load %arg3[%swap3A_98, %swap3A_99] : memref<4128x128xf32, #tpu.memory_space<vmem>>, vector<129x128xf32>
    tpu.vector_store %arg3[%swap3A_98, %swap3A_99], %exp3A_5 {strides = array<i32>} : memref<4128x128xf32, #tpu.memory_space<vmem>>, vector<129x128xf32>,
    %swap3A_101 = arith.constant 2064 : index
    %swap3A_102 = arith.constant 0 : index
    %swap3A_103 = vector.load %arg2[%swap3A_101, %swap3A_102] : memref<4128x128xf32, #tpu.memory_space<vmem>>, vector<129x128xf32>
    tpu.vector_store %arg2[%swap3A_101, %swap3A_102], %exp3A {strides = array<i32>} : memref<4128x128xf32, #tpu.memory_space<vmem>>, vector<129x128xf32>,
    %swap3A_104 = arith.constant 2064 : index
    %swap3A_105 = arith.constant 0 : index
    %swap3A_106 = vector.load %arg3[%swap3A_104, %swap3A_105] : memref<4128x128xf32, #tpu.memory_space<vmem>>, vector<129x128xf32>
    tpu.vector_store %arg3[%swap3A_104, %swap3A_105], %exp3A_5 {strides = array<i32>} : memref<4128x128xf32, #tpu.memory_space<vmem>>, vector<129x128xf32>,
    %swap3A_107 = arith.constant 2193 : index
    %swap3A_108 = arith.constant 0 : index
    %swap3A_109 = vector.load %arg2[%swap3A_107, %swap3A_108] : memref<4128x128xf32, #tpu.memory_space<vmem>>, vector<129x128xf32>
    tpu.vector_store %arg2[%swap3A_107, %swap3A_108], %exp3A {strides = array<i32>} : memref<4128x128xf32, #tpu.memory_space<vmem>>, vector<129x128xf32>,
    %swap3A_110 = arith.constant 2193 : index
    %swap3A_111 = arith.constant 0 : index
    %swap3A_112 = vector.load %arg3[%swap3A_110, %swap3A_111] : memref<4128x128xf32, #tpu.memory_space<vmem>>, vector<129x128xf32>
    tpu.vector_store %arg3[%swap3A_110, %swap3A_111], %exp3A_5 {strides = array<i32>} : memref<4128x128xf32, #tpu.memory_space<vmem>>, vector<129x128xf32>,
    %swap3A_113 = arith.constant 2322 : index
    %swap3A_114 = arith.constant 0 : index
    %swap3A_115 = vector.load %arg2[%swap3A_113, %swap3A_114] : memref<4128x128xf32, #tpu.memory_space<vmem>>, vector<129x128xf32>
    tpu.vector_store %arg2[%swap3A_113, %swap3A_114], %exp3A {strides = array<i32>} : memref<4128x128xf32, #tpu.memory_space<vmem>>, vector<129x128xf32>,
    %swap3A_116 = arith.constant 2322 : index
    %swap3A_117 = arith.constant 0 : index
    %swap3A_118 = vector.load %arg3[%swap3A_116, %swap3A_117] : memref<4128x128xf32, #tpu.memory_space<vmem>>, vector<129x128xf32>
    tpu.vector_store %arg3[%swap3A_116, %swap3A_117], %exp3A_5 {strides = array<i32>} : memref<4128x128xf32, #tpu.memory_space<vmem>>, vector<129x128xf32>,
    %swap3A_119 = arith.constant 2451 : index
    %swap3A_120 = arith.constant 0 : index
    %swap3A_121 = vector.load %arg2[%swap3A_119, %swap3A_120] : memref<4128x128xf32, #tpu.memory_space<vmem>>, vector<129x128xf32>
    tpu.vector_store %arg2[%swap3A_119, %swap3A_120], %exp3A {strides = array<i32>} : memref<4128x128xf32, #tpu.memory_space<vmem>>, vector<129x128xf32>,
    %swap3A_122 = arith.constant 2451 : index
    %swap3A_123 = arith.constant 0 : index
    %swap3A_124 = vector.load %arg3[%swap3A_122, %swap3A_123] : memref<4128x128xf32, #tpu.memory_space<vmem>>, vector<129x128xf32>
    tpu.vector_store %arg3[%swap3A_122, %swap3A_123], %exp3A_5 {strides = array<i32>} : memref<4128x128xf32, #tpu.memory_space<vmem>>, vector<129x128xf32>,
    %swap3A_125 = arith.constant 2580 : index
    %swap3A_126 = arith.constant 0 : index
    %swap3A_127 = vector.load %arg2[%swap3A_125, %swap3A_126] : memref<4128x128xf32, #tpu.memory_space<vmem>>, vector<129x128xf32>
    tpu.vector_store %arg2[%swap3A_125, %swap3A_126], %exp3A {strides = array<i32>} : memref<4128x128xf32, #tpu.memory_space<vmem>>, vector<129x128xf32>,
    %swap3A_128 = arith.constant 2580 : index
    %swap3A_129 = arith.constant 0 : index
    %swap3A_130 = vector.load %arg3[%swap3A_128, %swap3A_129] : memref<4128x128xf32, #tpu.memory_space<vmem>>, vector<129x128xf32>
    tpu.vector_store %arg3[%swap3A_128, %swap3A_129], %exp3A_5 {strides = array<i32>} : memref<4128x128xf32, #tpu.memory_space<vmem>>, vector<129x128xf32>,
    %swap3A_131 = arith.constant 2709 : index
    %swap3A_132 = arith.constant 0 : index
    %swap3A_133 = vector.load %arg2[%swap3A_131, %swap3A_132] : memref<4128x128xf32, #tpu.memory_space<vmem>>, vector<129x128xf32>
    tpu.vector_store %arg2[%swap3A_131, %swap3A_132], %exp3A {strides = array<i32>} : memref<4128x128xf32, #tpu.memory_space<vmem>>, vector<129x128xf32>,
    %swap3A_134 = arith.constant 2709 : index
    %swap3A_135 = arith.constant 0 : index
    %swap3A_136 = vector.load %arg3[%swap3A_134, %swap3A_135] : memref<4128x128xf32, #tpu.memory_space<vmem>>, vector<129x128xf32>
    tpu.vector_store %arg3[%swap3A_134, %swap3A_135], %exp3A_5 {strides = array<i32>} : memref<4128x128xf32, #tpu.memory_space<vmem>>, vector<129x128xf32>,
    %swap3A_137 = arith.constant 2838 : index
    %swap3A_138 = arith.constant 0 : index
    %swap3A_139 = vector.load %arg2[%swap3A_137, %swap3A_138] : memref<4128x128xf32, #tpu.memory_space<vmem>>, vector<129x128xf32>
    tpu.vector_store %arg2[%swap3A_137, %swap3A_138], %exp3A {strides = array<i32>} : memref<4128x128xf32, #tpu.memory_space<vmem>>, vector<129x128xf32>,
    %swap3A_140 = arith.constant 2838 : index
    %swap3A_141 = arith.constant 0 : index
    %swap3A_142 = vector.load %arg3[%swap3A_140, %swap3A_141] : memref<4128x128xf32, #tpu.memory_space<vmem>>, vector<129x128xf32>
    tpu.vector_store %arg3[%swap3A_140, %swap3A_141], %exp3A_5 {strides = array<i32>} : memref<4128x128xf32, #tpu.memory_space<vmem>>, vector<129x128xf32>,
    %swap3A_143 = arith.constant 2967 : index
    %swap3A_144 = arith.constant 0 : index
    %swap3A_145 = vector.load %arg2[%swap3A_143, %swap3A_144] : memref<4128x128xf32, #tpu.memory_space<vmem>>, vector<129x128xf32>
    tpu.vector_store %arg2[%swap3A_143, %swap3A_144], %exp3A {strides = array<i32>} : memref<4128x128xf32, #tpu.memory_space<vmem>>, vector<129x128xf32>,
    %swap3A_146 = arith.constant 2967 : index
    %swap3A_147 = arith.constant 0 : index
    %swap3A_148 = vector.load %arg3[%swap3A_146, %swap3A_147] : memref<4128x128xf32, #tpu.memory_space<vmem>>, vector<129x128xf32>
    tpu.vector_store %arg3[%swap3A_146, %swap3A_147], %exp3A_5 {strides = array<i32>} : memref<4128x128xf32, #tpu.memory_space<vmem>>, vector<129x128xf32>,
    %swap3A_149 = arith.constant 3096 : index
    %swap3A_150 = arith.constant 0 : index
    %swap3A_151 = vector.load %arg2[%swap3A_149, %swap3A_150] : memref<4128x128xf32, #tpu.memory_space<vmem>>, vector<129x128xf32>
    tpu.vector_store %arg2[%swap3A_149, %swap3A_150], %exp3A {strides = array<i32>} : memref<4128x128xf32, #tpu.memory_space<vmem>>, vector<129x128xf32>,
    %swap3A_152 = arith.constant 3096 : index
    %swap3A_153 = arith.constant 0 : index
    %swap3A_154 = vector.load %arg3[%swap3A_152, %swap3A_153] : memref<4128x128xf32, #tpu.memory_space<vmem>>, vector<129x128xf32>
    tpu.vector_store %arg3[%swap3A_152, %swap3A_153], %exp3A_5 {strides = array<i32>} : memref<4128x128xf32, #tpu.memory_space<vmem>>, vector<129x128xf32>,
    %swap3A_155 = arith.constant 3225 : index
    %swap3A_156 = arith.constant 0 : index
    %swap3A_157 = vector.load %arg2[%swap3A_155, %swap3A_156] : memref<4128x128xf32, #tpu.memory_space<vmem>>, vector<129x128xf32>
    tpu.vector_store %arg2[%swap3A_155, %swap3A_156], %exp3A {strides = array<i32>} : memref<4128x128xf32, #tpu.memory_space<vmem>>, vector<129x128xf32>,
    %swap3A_158 = arith.constant 3225 : index
    %swap3A_159 = arith.constant 0 : index
    %swap3A_160 = vector.load %arg3[%swap3A_158, %swap3A_159] : memref<4128x128xf32, #tpu.memory_space<vmem>>, vector<129x128xf32>
    tpu.vector_store %arg3[%swap3A_158, %swap3A_159], %exp3A_5 {strides = array<i32>} : memref<4128x128xf32, #tpu.memory_space<vmem>>, vector<129x128xf32>,
    %swap3A_161 = arith.constant 3354 : index
    %swap3A_162 = arith.constant 0 : index
    %swap3A_163 = vector.load %arg2[%swap3A_161, %swap3A_162] : memref<4128x128xf32, #tpu.memory_space<vmem>>, vector<129x128xf32>
    tpu.vector_store %arg2[%swap3A_161, %swap3A_162], %exp3A {strides = array<i32>} : memref<4128x128xf32, #tpu.memory_space<vmem>>, vector<129x128xf32>,
    %swap3A_164 = arith.constant 3354 : index
    %swap3A_165 = arith.constant 0 : index
    %swap3A_166 = vector.load %arg3[%swap3A_164, %swap3A_165] : memref<4128x128xf32, #tpu.memory_space<vmem>>, vector<129x128xf32>
    tpu.vector_store %arg3[%swap3A_164, %swap3A_165], %exp3A_5 {strides = array<i32>} : memref<4128x128xf32, #tpu.memory_space<vmem>>, vector<129x128xf32>,
    %swap3A_167 = arith.constant 3483 : index
    %swap3A_168 = arith.constant 0 : index
    %swap3A_169 = vector.load %arg2[%swap3A_167, %swap3A_168] : memref<4128x128xf32, #tpu.memory_space<vmem>>, vector<129x128xf32>
    tpu.vector_store %arg2[%swap3A_167, %swap3A_168], %exp3A {strides = array<i32>} : memref<4128x128xf32, #tpu.memory_space<vmem>>, vector<129x128xf32>,
    %swap3A_170 = arith.constant 3483 : index
    %swap3A_171 = arith.constant 0 : index
    %swap3A_172 = vector.load %arg3[%swap3A_170, %swap3A_171] : memref<4128x128xf32, #tpu.memory_space<vmem>>, vector<129x128xf32>
    tpu.vector_store %arg3[%swap3A_170, %swap3A_171], %exp3A_5 {strides = array<i32>} : memref<4128x128xf32, #tpu.memory_space<vmem>>, vector<129x128xf32>,
    %swap3A_173 = arith.constant 3612 : index
    %swap3A_174 = arith.constant 0 : index
    %swap3A_175 = vector.load %arg2[%swap3A_173, %swap3A_174] : memref<4128x128xf32, #tpu.memory_space<vmem>>, vector<129x128xf32>
    tpu.vector_store %arg2[%swap3A_173, %swap3A_174], %exp3A {strides = array<i32>} : memref<4128x128xf32, #tpu.memory_space<vmem>>, vector<129x128xf32>,
    %swap3A_176 = arith.constant 3612 : index
    %swap3A_177 = arith.constant 0 : index
    %swap3A_178 = vector.load %arg3[%swap3A_176, %swap3A_177] : memref<4128x128xf32, #tpu.memory_space<vmem>>, vector<129x128xf32>
    tpu.vector_store %arg3[%swap3A_176, %swap3A_177], %exp3A_5 {strides = array<i32>} : memref<4128x128xf32, #tpu.memory_space<vmem>>, vector<129x128xf32>,
    %swap3A_179 = arith.constant 3741 : index
    %swap3A_180 = arith.constant 0 : index
    %swap3A_181 = vector.load %arg2[%swap3A_179, %swap3A_180] : memref<4128x128xf32, #tpu.memory_space<vmem>>, vector<129x128xf32>
    tpu.vector_store %arg2[%swap3A_179, %swap3A_180], %exp3A {strides = array<i32>} : memref<4128x128xf32, #tpu.memory_space<vmem>>, vector<129x128xf32>,
    %swap3A_182 = arith.constant 3741 : index
    %swap3A_183 = arith.constant 0 : index
    %swap3A_184 = vector.load %arg3[%swap3A_182, %swap3A_183] : memref<4128x128xf32, #tpu.memory_space<vmem>>, vector<129x128xf32>
    tpu.vector_store %arg3[%swap3A_182, %swap3A_183], %exp3A_5 {strides = array<i32>} : memref<4128x128xf32, #tpu.memory_space<vmem>>, vector<129x128xf32>,
    %swap3A_185 = arith.constant 3870 : index
    %swap3A_186 = arith.constant 0 : index
    %swap3A_187 = vector.load %arg2[%swap3A_185, %swap3A_186] : memref<4128x128xf32, #tpu.memory_space<vmem>>, vector<129x128xf32>
    tpu.vector_store %arg2[%swap3A_185, %swap3A_186], %exp3A {strides = array<i32>} : memref<4128x128xf32, #tpu.memory_space<vmem>>, vector<129x128xf32>,
    %swap3A_188 = arith.constant 3870 : index
    %swap3A_189 = arith.constant 0 : index
    %swap3A_190 = vector.load %arg3[%swap3A_188, %swap3A_189] : memref<4128x128xf32, #tpu.memory_space<vmem>>, vector<129x128xf32>
    tpu.vector_store %arg3[%swap3A_188, %swap3A_189], %exp3A_5 {strides = array<i32>} : memref<4128x128xf32, #tpu.memory_space<vmem>>, vector<129x128xf32>,
    %swap3A_191 = arith.constant 3999 : index
    %swap3A_192 = arith.constant 0 : index
    %swap3A_193 = vector.load %arg2[%swap3A_191, %swap3A_192] : memref<4128x128xf32, #tpu.memory_space<vmem>>, vector<129x128xf32>
    tpu.vector_store %arg2[%swap3A_191, %swap3A_192], %exp3A {strides = array<i32>} : memref<4128x128xf32, #tpu.memory_space<vmem>>, vector<129x128xf32>,
    %swap3A_194 = arith.constant 3999 : index
    %swap3A_195 = arith.constant 0 : index
    %swap3A_196 = vector.load %arg3[%swap3A_194, %swap3A_195] : memref<4128x128xf32, #tpu.memory_space<vmem>>, vector<129x128xf32>
    tpu.vector_store %arg3[%swap3A_194, %swap3A_195], %exp3A_5 {strides = array<i32>} : memref<4128x128xf32, #tpu.memory_space<vmem>>, vector<129x128xf32>,
    %broadcast_in_dim3A = arith.constant 0.000000e+00 : f32
    %broadcast_in_dim3A_197 = vector.broadcast %broadcast_in_dim3A : f32 to vector<15xf32>
    %get3A_198 = arith.constant 0 : index
    %get3A_199 = arith.constant 128 : index
    %get3A_200 = vector.load %arg0[%get3A_198, %get3A_199] : memref<129x129xf32, #tpu.memory_space<vmem>>, vector<129x1xf32>
    %get3A_201 = vector.shape_cast %get3A_200 : vector<129x1xf32> to vector<129xf32>
    %exp3A_202 = math.exp %get3A_201 : vector<129xf32>
    %concatenate3A = tpu.concatenate %exp3A_202, %broadcast_in_dim3A_197 in 0 : vector<129xf32>, vector<15xf32> -> vector<144xf32>
    %swap3A_203 = arith.constant 0 : index
    %swap3A_204 = vector.load %arg4[%swap3A_203] : memref<144xf32, #tpu.memory_space<vmem>>, vector<144xf32>
    tpu.vector_store %arg4[%swap3A_203], %concatenate3A {strides = array<i32>} : memref<144xf32, #tpu.memory_space<vmem>>, vector<144xf32>,
    %get3A_205 = arith.constant 0 : index
    %get3A_206 = arith.constant 128 : index
    %get3A_207 = vector.load %arg1[%get3A_205, %get3A_206] : memref<129x129xf32, #tpu.memory_space<vmem>>, vector<129x1xf32>
    %get3A_208 = vector.shape_cast %get3A_207 : vector<129x1xf32> to vector<129xf32>
    %exp3A_209 = math.exp %get3A_208 : vector<129xf32>
    %concatenate3A_210 = tpu.concatenate %exp3A_209, %broadcast_in_dim3A_197 in 0 : vector<129xf32>, vector<15xf32> -> vector<144xf32>
    %swap3A_211 = arith.constant 0 : index
    %swap3A_212 = vector.load %arg5[%swap3A_211] : memref<144xf32, #tpu.memory_space<vmem>>, vector<144xf32>
    tpu.vector_store %arg5[%swap3A_211], %concatenate3A_210 {strides = array<i32>} : memref<144xf32, #tpu.memory_space<vmem>>, vector<144xf32>,
    return
  }
}

</mosaic_0001>

<sc_bundles>
// kernel: kernel.4.cloned.1.call-start
scs
__scs_entry_jumppad:
0x0: {  	(pc) =	sbr.rel $0x88, $3  }
0x1: {  	(tag) =	ssettag $0x0;
	lr =	simm.s32 $0x1  }
0x2: {  	[smem:$0x3F9E] =	sst lr;
	_ =	strace $0xD0000000  }
0x3: {  	_ = 	snop  }
0x4: {  	_ = 	snop  }
0x5: {  	_ = 	snop  }
0x6: {  	_ = 	snop  }
0x7: {  	_ = 	snop  }
__scs_overlays_trampoline_lowered:
0x8: {  	[smem:$0x3FAD] =	sst s0  }
0x9: {  	[smem:$0x3FAE] =	sst s1  }
0xa: {  	[smem:$0x3FAF] =	sst s2  }
0xb: {  	[smem:$0x3FB0] =	sst s3  }
0xc: {  	[smem:$0x3FB1] =	sst s4  }
0xd: {  	[smem:$0x3FB2] =	sst s5  }
0xe: {  	[smem:$0x3FB3] =	sst s6  }
0xf: {  	[smem:$0x3FB4] =	sst s7  }
0x10: {  	[smem:$0x3FB5] =	sst s8  }
0x11: {  	[smem:$0x3FB6] =	sst s9;
	s0 =	simm.s32 @!p0 $0x0  }
0x12: {  	s1 =	sld [smem:$0x3F9C];
	s0 =	simm.s32 @p0 $0x1  }
0x13: {  	[smem:$0x3FB7] =	sst s0;
	s0 =	simm.s32 @!p1 $0x0  }
0x14: {  	s2 =	sld [smem:$0x3F9B];
	s0 =	simm.s32 @p1 $0x1  }
0x15: {  	[smem:$0x3FB8] =	sst s0;
	s0 =	simm.s32 @!p2 $0x0  }
0x16: {  	s3 =	sld [smem:$0x3FDB];
	s0 =	simm.s32 @p2 $0x1  }
0x17: {  	s4 =	simm.s32 $0x1BF5;
	[smem:$0x3FBA] =	sst s0  }
0x18: {  	s0 =	sld [smem:$0x3F9D];
	_ =	swait.ge [sflag:s4], $0x0  }
0x19: {  	s7 =	sld [smem:$0x3F9E]  }
0x1a: {  	s8 =	sadd.s32 $0xFFFFE003, lr  }
0x1b: {  	s9 =	sadd.s32 $0xFFFFFEF7, lr;
	s5 =	simm.s32 $0xFFFFFFFF;
	p2 =	slt.u32 s8, $0xFFFFF086  }
0x1c: {  	p1 =	slt.u32 s9, $0xF7A;
	s5 =	simm.s32 @!p2 $0x0  }
0x1d: {  	s5 =	simm.s32 @p1 $0x1;
	p0 =	seq.s32 s7, s2  }
0x1e: {  	s7 =	smul.u32 @!p0 $0xF7A, s2;
	p2 =	seq.s32 @!p0 s5, $0x0  }
0x1f: {  	s9 =	smul.u32 $0xF7A, s1;
	s8 =	simm.s32 @!p0 $0x1BF5;
	p2 =	por !p2, p0  }
0x20: {  	[sflag:s8] =	ssyncset.s32 @!p0 $0xFFFFF086;
	s6 =	sadd.s32 @!p0 s3, s7;
	s7 =	simm.s32 @!p0 $0x108  }
0x21: {  	s3 =	sadd.s32 s3, s9;
	s6 =	sadd.s32 @!p0 $0x88, s6;
	s7 =	simm.s32 @p2 $0x1082  }
0x22: {  	[simem:s7], [sflag:s8] =	dma.local @!p0 [hbm:s6], $0xF7A  }
0x23: {  	s9 =	sor.u32 $0xD0000000, s2;
	s6 =	simm.s32 $0x108;
	_ =	swait.ge @!p0 [sflag:s8], $0x0  }
0x24: {  	s3 =	sadd.s32 $0x88, s3;
	s6 =	simm.s32 @!p1 $0x1082;
	[sflag:s4] =	ssyncset.s32 $0xFFFFF086  }
0x25: {  	[simem:s6], [sflag:s4] =	dma.local [hbm:s3], $0xF7A  }
0x26: {  	[smem:$0x3F9E] =	sst s1;
	(tag) =	ssettag s2;
	_ =	strace s9  }
0x27: {  	s1 =	sld [smem:$0x3FAE]  }
0x28: {  	s2 =	sld [smem:$0x3FAF]  }
0x29: {  	s4 =	sld [smem:$0x3FB1]  }
0x2a: {  	p0 =	seq.s32 s5, $0x0;
	s5 =	sld [smem:$0x3FB2]  }
0x2b: {  	s6 =	sld [smem:$0x3FB3]  }
0x2c: {  	s7 =	sld [smem:$0x3FB4]  }
0x2d: {  	s3 =	simm.s32 $0x108;
	s8 =	sld [smem:$0x3FB5]  }
0x2e: {  	s3 =	simm.s32 @!p0 $0x1082;
	s9 =	sld [smem:$0x3FB6]  }
0x2f: {  	lr =	sadd.s32 s0, s3;
	s0 =	sld [smem:$0x3FAD]  }
0x30: {  	s3 =	sld [smem:$0x3FB0]  }
0x31: {  	[smem:$0x3FB9] =	sst s10  }
0x32: {  	s10 =	sld [smem:$0x3FB7];
	_ =	sdelay $0x3  }
0x33: {  	p0 =	seq.s32 s10, $0x1;
	s10 =	sld [smem:$0x3FB9];
	_ =	sdelay $0x3  }
0x34: {  	[smem:$0x3FB9] =	sst s10  }
0x35: {  	s10 =	sld [smem:$0x3FB8];
	_ =	sdelay $0x3  }
0x36: {  	p1 =	seq.s32 s10, $0x1;
	s10 =	sld [smem:$0x3FB9];
	_ =	sdelay $0x3  }
0x37: {  	[smem:$0x3FB9] =	sst s10  }
0x38: {  	s10 =	sld [smem:$0x3FBA]  }
0x39: {  	_ = 	snop;
	(pc) =	sbr.ind lr, $3  }
0x3a: {  	_ = 	snop  }
0x3b: {  	_ = 	snop  }
0x3c: {  	p2 =	seq.s32 s10, $0x1;
	s10 =	sld [smem:$0x3FB9]  }
0x3d: {  	_ =	shalt  }
0x3e: {  	_ =	shalt  }
0x3f: {  	_ =	shalt  }
0x40: {  	_ =	shalt  }
0x41: {  	_ =	shalt  }
0x42: {  	_ =	shalt  }
0x43: {  	_ =	shalt  }
0x44: {  	_ =	shalt  }
0x45: {  	_ =	shalt  }
0x46: {  	_ =	shalt  }
0x47: {  	_ =	shalt  }
0x48: {  	_ =	shalt  }
0x49: {  	_ =	shalt  }
0x4a: {  	_ =	shalt  }
0x4b: {  	_ =	shalt  }
0x4c: {  	_ =	shalt  }
0x4d: {  	_ =	shalt  }
0x4e: {  	_ =	shalt  }
0x4f: {  	_ =	shalt  }
0x50: {  	_ =	shalt  }
0x51: {  	_ =	shalt  }
0x52: {  	_ =	shalt  }
0x53: {  	_ =	shalt  }
0x54: {  	_ =	shalt  }
0x55: {  	_ =	shalt  }
0x56: {  	_ =	shalt  }
0x57: {  	_ =	shalt  }
0x58: {  	_ =	shalt  }
0x59: {  	_ =	shalt  }
0x5a: {  	_ =	shalt  }
0x5b: {  	_ =	shalt  }
0x5c: {  	_ =	shalt  }
0x5d: {  	_ =	shalt  }
0x5e: {  	_ =	shalt  }
0x5f: {  	_ =	shalt  }
0x60: {  	_ =	shalt  }
0x61: {  	_ =	shalt  }
0x62: {  	_ =	shalt  }
0x63: {  	_ =	shalt  }
0x64: {  	_ =	shalt  }
0x65: {  	_ =	shalt  }
0x66: {  	_ =	shalt  }
0x67: {  	_ =	shalt  }
0x68: {  	_ =	shalt  }
0x69: {  	_ =	shalt  }
0x6a: {  	_ =	shalt  }
0x6b: {  	_ =	shalt  }
0x6c: {  	_ =	shalt  }
0x6d: {  	_ =	shalt  }
0x6e: {  	_ =	shalt  }
0x6f: {  	_ =	shalt  }
0x70: {  	_ =	shalt  }
0x71: {  	_ =	shalt  }
0x72: {  	_ =	shalt  }
0x73: {  	_ =	shalt  }
0x74: {  	_ =	shalt  }
0x75: {  	_ =	shalt  }
0x76: {  	_ =	shalt  }
0x77: {  	_ =	shalt  }
0x78: {  	_ =	shalt  }
0x79: {  	_ =	shalt  }
0x7a: {  	_ =	shalt  }
0x7b: {  	_ =	shalt  }
0x7c: {  	_ =	shalt  }
0x7d: {  	_ =	shalt  }
0x7e: {  	_ =	shalt  }
0x7f: {  	_ =	shalt  }
0x80: {  	_ =	shalt  }
0x81: {  	_ =	shalt  }
0x82: {  	_ =	shalt  }
0x83: {  	_ =	shalt  }
0x84: {  	_ =	shalt  }
0x85: {  	_ =	shalt  }
0x86: {  	_ =	shalt  }
0x87: {  	_ =	shalt  }
.Lfunc_end0:
.L_simem_size_0:
called_computation.2_lowered:
.L_overlay_start_0:
0x88: {  	s2 =	sld [smem:$0x3FD9]  }
0x89: {  	s3 =	sld [smem:$0x3FFE];
	_ =	sdelay $0x1  }
0x8a: {  	s1 =	srdreg.scid  }
0x8b: {  	s0 =	sand.u32 $0x1, s1  }
0x8c: {  	s14 =	sshll.u32 s0, $0xA;
	s2 =	sadd.s32 s3, s2  }
0x8d: {  	s2 =	sadd.s32 s2, s14  }
0x8e: {  	[smem:$0x3FC5] =	sst s2  }
0x8f: {  	_ = 	snop  }
0x90: {  	s2 =	sld [smem:$0x3FD0];
	_ =	sdelay $0x2  }
0x91: {  	s15 =	simm.s32 $0xB;
	s4 =	simm.s32 $0x10  }
0x92: {  	[smem:s4], [sflag:s15] =	dma.local [hbm:s2], $0x1  }
0x93: {  	_ =	swait.eq [sflag:s15], $0x1  }
0x94: {  	[sflag:s15] =	ssyncset.done $0x0  }
0x95: {  	s16 =	sld [smem:$0x10];
	[sflag:s15] =	ssyncadd.s32 $0xFFFFFFFF  }
0x96: {  	s17 =	sld [smem:$0x11];
	(tm) =	ssettm $0x1  }
0x97: {  	s18 =	sld [smem:$0x3FFB];
	_ =	sdelay $0x3  }
0x98: {  	_ =	strace s18  }
0x99: {  	s4 =	sld [smem:$0x3FFC];
	_ =	sdelay $0x3  }
0x9a: {  	_ =	strace s4  }
0x9b: {  	s4 =	sld [smem:$0x3FFD];
	_ =	sdelay $0x3  }
0x9c: {  	_ =	strace s4  }
0x9d: {  	_ =	strace $0x8FFFFFFF  }
0x9e: {  	s19 =	sld [smem:$0x3FDB];
	_ =	sdelay $0x1  }
0x9f: {  	s5 =	simm.s32 $_scs_section_size  }
0xa0: {  	s6 =	simm.s32 $_size__tile_overlayer_lowered;
	s7 =	simm.s32 $_tile_overlayer_lowered  }
0xa1: {  	s22 =	simm.s32 $0x1BFF;
	s21 =	sshll.u32 s7, $0x1;
	s4 =	sadd.s32 s5, s19  }
0xa2: {  	s8 =	simm.s32 $0x0;
	s20 =	sshll.u32 s6, $0x1;
	s6 =	sadd.s32 s21, s4  }
0xa3: {  	[timem:s8], [sflag:s22] =	dma.local [hbm:s6], s20  }
0xa4: {  	_ =	swait.ge [sflag:s22], s20  }
0xa5: {  	s5 =	ssub.s32 $0x0, s20;
	[sflag:s22] =	ssyncset.done $0x0  }
0xa6: {  	[sflag:s22] =	ssyncadd.s32 s5;
	_ =	sdelay $0x1  }
0xa7: {  	s23 =	simm.s32 $0x1B8B  }
0xa8: {  	_ =	swait.ge [sflag:s23], $0x1  }
0xa9: {  	[sflag:s23] =	ssyncset.done $0x0  }
0xaa: {  	s25 =	simm.s32 $0x1B8E;
	s24 =	sld [smem:$0x3FFE];
	[sflag:s23] =	ssyncadd.s32 $0xFFFFFFFF  }
0xab: {  	s26 =	simm.s32 $execute0_lowered;
	[smem:$0x3FD2] =	sst s25  }
0xac: {  	s6 =	sshll.u32 s26, $0x1;
	_ =	strace $0x80000046;
	[dreg:$0x1] =	wrdreg $0xFFFFFFFF  }
0xad: {  	s28 =	simm.s32 $_size_execute0_lowered;
	s4 =	sadd.s32 s4, s6;
	[dreg:$0x0] =	wrdreg $0x0  }
0xae: {  	s6 =	sshll.u32 s28, $0x1;
	[dreg:$0x2] =	wrdreg s4  }
0xaf: {  	[dreg:$0x3] =	wrdreg s6  }
0xb0: {  	[dreg:$0x4] =	wrdreg $0xC0  }
0xb1: {  	_ =	task [dreg:s8], $0x5FFFF  }
0xb2: {  	[dreg:$0x1] =	wrdreg $0xFFFFFFFF  }
0xb3: {  	[dreg:$0x0] =	wrdreg $0x60  }
0xb4: {  	[dreg:$0x2] =	wrdreg s16  }
0xb5: {  	[dreg:$0x3] =	wrdreg s24  }
0xb6: {  	[dreg:$0x4] =	wrdreg s17  }
0xb7: {  	[dreg:$0x5] =	wrdreg $0x9  }
0xb8: {  	_ =	task.clear_ibuf [dreg:s8], $0x6FFFF;
	_ =	strace $0x90000046  }
0xb9: {  	s29 =	simm.s32 $0x9;
	_ =	strace $0x80000048  }
0xba: {  	_ =	swait.ge [sflag:s29], $0x1  }
0xbb: {  	[sflag:s29] =	ssyncadd.s32 $0xFFFFFFFF  }
0xbc: {  	_ =	strace $0x90000048  }
0xbd: {  	_ =	sfence  }
0xbe: {  	s30 =	sld [smem:$0x0];
	_ =	sdelay $0x2  }
0xbf: {  	s31 =	sshll.u32 s1, $0xD;
	s1 =	sshrl.u32 s1, $0x2  }
0xc0: {  	s3 =	sand.u32 $0x4000, s31;
	s1 =	sadd.s32 s1, s30  }
0xc1: {  	s0 =	sor.u32 s3, s0;
	s1 =	sshll.u32 s1, $0x11  }
0xc2: {  	s0 =	sor.u32 s1, s0  }
0xc3: {  	s0 =	sadd.s32 $0x8F2B, s0  }
0xc4: {  	[sflag:s0] =	ssyncadd.remote.s32 $0x1  }
0xc5: {  	_ =	sfence.sel $0xFFFF  }
0xc6: {  	[dreg:$0x0] =	wrdreg $0xFFFFFFFF;
	(pc) =	sbr.abs _section_cstart, $3  }
0xc7: {  	[dreg:$0x1] =	wrdreg $0xFFFFFFFF  }
0xc8: {  	_ =	task.clear_ibuf [dreg:s8], $0x2FFFF;
	_ =	strace $0x9FFFFFFF  }
0xc9: {  	(tm) =	ssettm $0x7FFFFFFF  }
tec
execute0_lowered:
.L_overlay_start_1:
0x0: {  	(tag) =	ssettag $0x1  }
0x1: {  	s1 =	rddreg [dreg:$0x0]  }
0x2: {  	s6 =	rddreg [dreg:$0x1]  }
0x3: {  	s0 =	rddreg [dreg:$0x2];
	s3 =	simm.s32 $0x0  }
0x4: {  	s15 =	simm.s32 $0x900;
	[smem:$0x7FF] =	sst s3  }
0x5: {  	s16 =	simm.s32 $0x1100;
	_ =	strace $0x80000047;
	[dreg:$0x6] =	wrdreg s15  }
0x6: {  	s17 =	simm.s32 $0x1900;
	[dreg:$0x7] =	wrdreg s16  }
0x7: {  	s18 =	simm.s32 $0x2100;
	[dreg:$0x8] =	wrdreg s17  }
0x8: {  	s19 =	simm.s32 $0x2900;
	[dreg:$0x9] =	wrdreg s18  }
0x9: {  	v1 =	vimm.s32 $0xF80;
	vm14 =	vcmask $0x300;
	vm13 =	vcmask $0x704;
	s20 =	simm.s32 $0x3100;
	[dreg:$0xa] =	wrdreg s19  }
0xa: {  	v2 =	vimm.s32 $0x1F80;
	vm12 =	vcmask $0xB08;
	vm11 =	vcmask $0xF0C;
	s21 =	simm.s32 $0x3900;
	[dreg:$0xb] =	wrdreg s20  }
0xb: {  	s10 =	stileid.u32;
	vm9 =	vcmask $0x1310;
	vm7 =	vcmask $0x1714;
	vm3 =	vcmask $0x1B18;
	s22 =	simm.s32 $0x4100;
	[dreg:$0xc] =	wrdreg s21  }
0xc: {  	s2 =	srdreg.scid;
	vm0 =	vcmask $0x1F1C;
	vm1 =	vcmask $0x2320;
	vm2 =	vcmask $0x2724;
	s24 =	sadd.s32 $0x12000, s6;
	[dreg:$0xd] =	wrdreg s22  }
0xd: {  	s23 =	simm.s32 $0x4900;
	s25 =	simm.s32 $0xA900;
	vm4 =	vcmask $0x2B28;
	vm5 =	vcmask $0x2F2C;
	vm6 =	vcmask $0x3330;
	[smem:$0x7F9] =	sst s24  }
0xe: {  	s31 =	simm.s32 $0xB100;
	vm8 =	vcmask $0x3734;
	vm10 =	vcmask $0x3B38;
	v3 =	vimm.s32 $0x2F80;
	s26 =	sadd.s32 $0x12200, s6;
	[dreg:$0xe] =	wrdreg s23  }
0xf: {  	s12 =	simm.s32 $0xD100;
	v4 =	vimm.s32 $0x3F80;
	v5 =	vimm.s32 $0x4F80;
	v8 =	vlaneseq.u32;
	s28 =	simm.s32 $0x3;
	[smem:$0x7FA] =	sst s26  }
0x10: {  	s29 =	simm.s32 $0x4;
	s30 =	simm.s32 $0x0;
	v1 =	vsel vm14, $0x400, v1;
	v2 =	vsel vm14, $0x1400, v2;
	v3 =	vsel vm14, $0x2400, v3;
	[dreg:$0xf] =	wrdreg s25  }
0x11: {  	s4 =	smul.u32 $0x190000, s10;
	s2 =	sand.u32 $0x1, s2;
	v4 =	vsel vm14, $0x3400, v4;
	v5 =	vsel vm14, $0x4400, v5;
	v6 =	vand.u32 $0x7, v8;
	[dreg:$0x10] =	wrdreg s31  }
0x12: {  	s7 =	sshll.u32 s10, $0x1;
	v7 =	vshrl.u32 v8, $0x3;
	v8 =	vor.u32 $0x8, v8;
	v1 =	vsel vm13, $0x480, v1;
	[dreg:$0x14] =	wrdreg s12;
	s15 =	simm.s32 $0xE900  }
0x13: {  	s11 =	smul.u32 $0xC800, s10;
	v2 =	vsel vm13, $0x1480, v2;
	v3 =	vsel vm13, $0x2480, v3;
	v4 =	vsel vm13, $0x3480, v4;
	s17 =	simm.s32 $0x80;
	[dreg:$0x17] =	wrdreg s15  }
0x14: {  	s10 =	simm.s32 $0x14100;
	v5 =	vsel vm13, $0x4480, v5;
	s18 =	simm.s32 $0x5900;
	v7 =	vmul.u32 $0x8, v7;
	v1 =	vsel vm12, $0x500, v1;
	[dreg:$0x18] =	wrdreg s17  }
0x15: {  	s7 =	sor.u32 s2, s7;
	s19 =	simm.s32 $0x6100;
	v2 =	vsel vm12, $0x1500, v2;
	v3 =	vsel vm12, $0x2500, v3;
	v4 =	vsel vm12, $0x3500, v4;
	[dreg:$0x19] =	wrdreg s18  }
0x16: {  	s20 =	simm.s32 $0x6900;
	s13 =	smul.u32 $0x81, s7;
	v5 =	vsel vm12, $0x4500, v5;
	[dreg:$0x1a] =	wrdreg s19;
	v1 =	vsel vm11, $0x580, v1;
	v2 =	vsel vm11, $0x1580, v2  }
0x17: {  	s5 =	smul.u32 $0xC8000, s2;
	s21 =	simm.s32 $0x7100;
	[dreg:$0x1b] =	wrdreg s20;
	v3 =	vsel vm11, $0x2580, v3;
	v4 =	vsel vm11, $0x3580, v4;
	v5 =	vsel vm11, $0x4580, v5  }
0x18: {  	s8 =	ssub.s32 $0x2, s2;
	s22 =	simm.s32 $0x7900;
	[dreg:$0x1c] =	wrdreg s21;
	v0 =	vmov s13;
	v1 =	vsel vm9, $0x600, v1;
	v2 =	vsel vm9, $0x1600, v2  }
0x19: {  	s2 =	smul.u32 $0x6400, s2;
	s23 =	simm.s32 $0x8100;
	[dreg:$0x1d] =	wrdreg s22;
	v3 =	vsel vm9, $0x2600, v3;
	v4 =	vsel vm9, $0x3600, v4;
	v5 =	vsel vm9, $0x4600, v5  }
0x1a: {  	s12 =	simm.s32 $0x14200;
	s24 =	simm.s32 $0x8900;
	[dreg:$0x1e] =	wrdreg s23;
	v1 =	vsel vm7, $0x680, v1;
	v2 =	vsel vm7, $0x1680, v2;
	v3 =	vsel vm7, $0x2680, v3  }
0x1b: {  	s25 =	simm.s32 $0x9100;
	s26 =	simm.s32 $0x9900;
	[dreg:$0x1f] =	wrdreg s24;
	v4 =	vsel vm7, $0x3680, v4;
	v5 =	vsel vm7, $0x4680, v5;
	v1 =	vsel vm3, $0x700, v1  }
0x1c: {  	s31 =	simm.s32 $0xF900;
	s4 =	sadd.s32 s4, s6;
	[smem:$0x7FB] =	sst s25;
	v2 =	vsel vm3, $0x1700, v2;
	v3 =	vsel vm3, $0x2700, v3;
	v4 =	vsel vm3, $0x3700, v4  }
0x1d: {  	s9 =	sshrl.u32 s8, $0x1;
	s15 =	simm.s32 $0x5100;
	[smem:$0x7FC] =	sst s26;
	v5 =	vsel vm3, $0x4700, v5;
	v1 =	vsel vm0, $0x780, v1;
	v2 =	vsel vm0, $0x1780, v2  }
0x1e: {  	[smem:$0x7FD] =	sst s31;
	s17 =	simm.s32 $0x10100;
	s18 =	simm.s32 $0x10900;
	v3 =	vsel vm0, $0x2780, v3;
	v4 =	vsel vm0, $0x3780, v4;
	v5 =	vsel vm0, $0x4780, v5  }
0x1f: {  	s19 =	simm.s32 $0x11100;
	s20 =	simm.s32 $0x11900;
	s21 =	simm.s32 $0x12100;
	vm0 =	vmmov $0xff;
	v1 =	vsel vm1, $0xC00, v1;
	v2 =	vsel vm1, $0x1C00, v2  }
0x20: {  	s22 =	simm.s32 $0x12900;
	s23 =	simm.s32 $0x13100;
	s24 =	simm.s32 $0x13900;
	v3 =	vsel vm1, $0x2C00, v3;
	v4 =	vsel vm1, $0x3C00, v4;
	v5 =	vsel vm1, $0x4C00, v5  }
0x21: {  	s25 =	simm.s32 $0x1;
	s26 =	simm.s32 $0x2;
	s4 =	sadd.s32 s5, s4;
	v1 =	vsel vm2, $0xC80, v1;
	v2 =	vsel vm2, $0x1C80, v2;
	v3 =	vsel vm2, $0x2C80, v3  }
0x22: {  	s5 =	simm.s32 $0xB900;
	s8 =	ssub.s32 s8, s9;
	s9 =	simm.s32 $0xC900;
	v4 =	vsel vm2, $0x3C80, v4;
	v5 =	vsel vm2, $0x4C80, v5;
	v1 =	vsel vm4, $0xD00, v1  }
0x23: {  	s14 =	sadd.s32 $0x1912400, s4;
	s4 =	sadd.s32 $0x12400, s4;
	[dreg:$0x11] =	wrdreg s5;
	v2 =	vsel vm4, $0x1D00, v2;
	v3 =	vsel vm4, $0x2D00, v3;
	v4 =	vsel vm4, $0x3D00, v4  }
0x24: {  	[dreg:$0x13] =	wrdreg s9;
	s13 =	simm.s32 $0xD900;
	s7 =	smax.u32 s8, $0x1;
	v5 =	vsel vm4, $0x4D00, v5;
	v1 =	vsel vm5, $0xD80, v1;
	v2 =	vsel vm5, $0x1D80, v2  }
0x25: {  	s9 =	sadd.s32 s2, s11;
	s11 =	simm.s32 $0x5;
	[dreg:$0x4] =	wrdreg s14;
	v3 =	vsel vm5, $0x2D80, v3;
	v4 =	vsel vm5, $0x3D80, v4;
	v5 =	vsel vm5, $0x4D80, v5  }
0x26: {  	[dreg:$0x5] =	wrdreg s4;
	s4 =	sadd.s32 $0x1E00, s6;
	s6 =	simm.s32 $0xC100;
	v1 =	vsel vm6, $0xE00, v1;
	v2 =	vsel vm6, $0x1E00, v2;
	v3 =	vsel vm6, $0x2E00, v3  }
0x27: {  	[dreg:$0x15] =	wrdreg s13;
	s14 =	simm.s32 $0xE100;
	s16 =	sor.u32 $0x50, s9;
	v4 =	vsel vm6, $0x3E00, v4;
	v5 =	vsel vm6, $0x4E00, v5;
	v1 =	vsel vm8, $0xE80, v1  }
0x28: {  	s9 =	sshrl.u32 s9, $0x3;
	s13 =	simm.s32 $0x100;
	[dreg:$0x12] =	wrdreg s6;
	v2 =	vsel vm8, $0x1E80, v2;
	v3 =	vsel vm8, $0x2E80, v3;
	v4 =	vsel vm8, $0x3E80, v4  }
0x29: {  	[dreg:$0x16] =	wrdreg s14;
	s8 =	sshrl.u32 s16, $0x3;
	s9 =	sadd.s32 s9, s0;
	v5 =	vsel vm8, $0x4E80, v5;
	v1 =	vsel vm10, $0xF00, v1;
	v2 =	vsel vm10, $0x1F00, v2  }
0x2a: {  	s14 =	simm.s32 $0xA100;
	s16 =	simm.s32 $0xF100;
	s2 =	sadd.s32 s8, s0;
	v3 =	vsel vm10, $0x2F00, v3;
	v4 =	vsel vm10, $0x3F00, v4;
	v5 =	vsel vm10, $0x4F00, v5  }
.LBB2_1:
0x2b: {  	s0 =	sld [smem:$0x7F9];
	_ =	sdelay $0x2  }
0x2c: {  	[tilespmem:s10], [sflag:$0x5] =	stream.linear.gather [hbm4b:s0+s3], $0x100, $0x38;
	[tilespmem:$0x14300] =	vst v63  }
0x2d: {  	_ =	swait.ge [sflag:s11], $0x100  }
0x2e: {  	s8 =	sld [smem:$0x7FA]  }
0x2f: {  	[sflag:s11] =	ssyncset.done $0x0  }
0x30: {  	[sflag:s11] =	ssyncadd.s32 $0xFFFFFF00  }
0x31: {  	[tilespmem:s12], [sflag:$0x5] =	stream.linear.gather [hbm4b:s8+s3], $0x100, $0x38;
	[tilespmem:$0x14300] =	vst v63  }
0x32: {  	_ =	swait.ge [sflag:s11], $0x100  }
0x33: {  	s31 =	smov.u32 s9;
	[sflag:s11] =	ssyncset.done $0x0  }
0x34: {  	s0 =	simm.s32 $0x0;
	s8 =	smov.u32 s2;
	[sflag:s11] =	ssyncadd.s32 $0xFFFFFF00  }
.LBB2_2:
0x35: {  	p0 =	seq.s32 s0, $0x0  }
0x36: {  	s5 =	simm.s32 @!p0 $0x3  }
0x37: {  	_ =	swait.ge @!p0 [sflag:s5], $0x5000  }
0x38: {  	[sflag:s5] =	ssyncset.done @!p0 $0x0  }
0x39: {  	[sflag:s5] =	ssyncadd.s32 @!p0 $0xFFFFB000  }
0x3a: {  	_ =	swait.ge @!p0 [sflag:s5], $0x5000  }
0x3b: {  	[sflag:s5] =	ssyncset.done @!p0 $0x0  }
0x3c: {  	[sflag:s5] =	ssyncadd.s32 @!p0 $0xFFFFB000  }
0x3d: {  	[tilespmem:s3], [sflag:$0x5] =	stream.linear.gather [hbm4b:s31+s3], $0x50, $0x38;
	[tilespmem:$0x14300] =	vst v63  }
0x3e: {  	_ =	swait.ge [sflag:s11], $0x50  }
0x3f: {  	[sflag:s11] =	ssyncset.done $0x0  }
0x40: {  	[sflag:s11] =	ssyncadd.s32 $0xFFFFFFB0  }
0x41: {  	v9 =	vld [tilespmem:$0x0];
	_ =	sdelay $0x7  }
0x42: {  	v10 =	vld.idx.msk [tilespmem:v9+s10+$0x0], $0xffff  }
0x43: {  	v9 =	vld.idx.msk [tilespmem:v9+s12+$0x0], $0xffff;
	_ =	sdelay $0x3  }
0x44: {  	[tilespmem:v1+s13+$0x0] =	vst.idx.msk $0xffff, v10  }
0x45: {  	[tilespmem:v1+s14+$0x0] =	vst.idx.msk $0xffff, v9  }
0x46: {  	v9 =	vld [tilespmem:$0x10];
	_ =	sdelay $0x7  }
0x47: {  	v10 =	vld.idx.msk [tilespmem:v9+s10+$0x0], $0xffff  }
0x48: {  	v9 =	vld.idx.msk [tilespmem:v9+s12+$0x0], $0xffff;
	_ =	sdelay $0x3  }
0x49: {  	[tilespmem:v2+s13+$0x0] =	vst.idx.msk $0xffff, v10  }
0x4a: {  	[tilespmem:v2+s14+$0x0] =	vst.idx.msk $0xffff, v9  }
0x4b: {  	v9 =	vld [tilespmem:$0x20];
	_ =	sdelay $0x7  }
0x4c: {  	v10 =	vld.idx.msk [tilespmem:v9+s10+$0x0], $0xffff  }
0x4d: {  	v9 =	vld.idx.msk [tilespmem:v9+s12+$0x0], $0xffff;
	_ =	sdelay $0x3  }
0x4e: {  	[tilespmem:v3+s13+$0x0] =	vst.idx.msk $0xffff, v10  }
0x4f: {  	[tilespmem:v3+s14+$0x0] =	vst.idx.msk $0xffff, v9  }
0x50: {  	v9 =	vld [tilespmem:$0x30];
	_ =	sdelay $0x7  }
0x51: {  	v10 =	vld.idx.msk [tilespmem:v9+s10+$0x0], $0xffff  }
0x52: {  	v9 =	vld.idx.msk [tilespmem:v9+s12+$0x0], $0xffff;
	_ =	sdelay $0x3  }
0x53: {  	[tilespmem:v4+s13+$0x0] =	vst.idx.msk $0xffff, v10  }
0x54: {  	[tilespmem:v4+s14+$0x0] =	vst.idx.msk $0xffff, v9  }
0x55: {  	v9 =	vld [tilespmem:$0x40];
	_ =	sdelay $0x7  }
0x56: {  	v10 =	vld.idx.msk [tilespmem:v9+s10+$0x0], $0xffff  }
0x57: {  	v9 =	vld.idx.msk [tilespmem:v9+s12+$0x0], $0xffff;
	_ =	sdelay $0x3  }
0x58: {  	[tilespmem:v5+s13+$0x0] =	vst.idx.msk $0xffff, v10  }
0x59: {  	[tilespmem:v5+s14+$0x0] =	vst.idx.msk $0xffff, v9  }
0x5a: {  	v9 =	vld [tilespmem:$0x0];
	_ =	sdelay $0x2  }
0x5b: {  	v10 =	vld [tilespmem:$0x10]  }
0x5c: {  	v11 =	vld [tilespmem:$0x20]  }
0x5d: {  	v12 =	vld [tilespmem:$0x30];
	v9 =	vadd.s32 v0, v9  }
0x5e: {  	v13 =	vld [tilespmem:$0x40];
	v14 =	vperm.xlane v9, v6;
	_ =	sdelay $0x1  }
0x5f: {  	v10 =	vadd.s32 v0, v10;
	[tilespmem:$0x0] =	vst v9;
	v9 =	vperm.xlane v9, v8;
	v14 =	vadd.s32 v7, v14  }
0x60: {  	[tilespmem:$0x10] =	vst v10;
	v10 =	vadd.s32 v0, v11  }
0x61: {  	[tilespmem:$0x20] =	vst v10;
	v10 =	vadd.s32 v0, v12;
	v9 =	vadd.s32 v7, v9  }
0x62: {  	[tilespmem:$0x30] =	vst v10;
	v10 =	vadd.s32 v0, v13  }
0x63: {  	[tilespmem:$0x40] =	vst v10  }
0x64: {  	[tilespmem:s13], [sflag:$0x1] =	stream.indirect_vreg.gather [hbm4b:s1+s3], $0x80, v14, vm0, $0xb8;
	[tilespmem:$0x14300] =	vst v63  }
0x65: {  	s6 =	rddreg [dreg:$0x6]  }
0x66: {  	[tilespmem:s6], [sflag:$0x1] =	stream.indirect_vreg.gather [hbm4b:s1+s3], $0x80, v9, vm0, $0xb8;
	[tilespmem:$0x14300] =	vst v63  }
0x67: {  	v9 =	vld [tilespmem:$0x10];
	_ =	sdelay $0x4  }
0x68: {  	v10 =	vperm.xlane v9, v6;
	_ =	sdelay $0x1  }
0x69: {  	v9 =	vperm.xlane v9, v8;
	v10 =	vadd.s32 v7, v10;
	_ =	sdelay $0x1  }
0x6a: {  	v9 =	vadd.s32 v7, v9;
	_ =	sdelay $0x1  }
0x6b: {  	s5 =	rddreg [dreg:$0x7]  }
0x6c: {  	[tilespmem:s5], [sflag:$0x1] =	stream.indirect_vreg.gather [hbm4b:s1+s3], $0x80, v10, vm0, $0xb8;
	[tilespmem:$0x14300] =	vst v63  }
0x6d: {  	s6 =	rddreg [dreg:$0x8]  }
0x6e: {  	[tilespmem:s6], [sflag:$0x1] =	stream.indirect_vreg.gather [hbm4b:s1+s3], $0x80, v9, vm0, $0xb8;
	[tilespmem:$0x14300] =	vst v63  }
0x6f: {  	v9 =	vld [tilespmem:$0x20];
	_ =	sdelay $0x4  }
0x70: {  	v10 =	vperm.xlane v9, v6;
	_ =	sdelay $0x1  }
0x71: {  	v9 =	vperm.xlane v9, v8;
	v10 =	vadd.s32 v7, v10;
	_ =	sdelay $0x1  }
0x72: {  	v9 =	vadd.s32 v7, v9;
	_ =	sdelay $0x1  }
0x73: {  	s5 =	rddreg [dreg:$0x9]  }
0x74: {  	[tilespmem:s5], [sflag:$0x1] =	stream.indirect_vreg.gather [hbm4b:s1+s3], $0x80, v10, vm0, $0xb8;
	[tilespmem:$0x14300] =	vst v63  }
0x75: {  	s6 =	rddreg [dreg:$0xa]  }
0x76: {  	[tilespmem:s6], [sflag:$0x1] =	stream.indirect_vreg.gather [hbm4b:s1+s3], $0x80, v9, vm0, $0xb8;
	[tilespmem:$0x14300] =	vst v63  }
0x77: {  	v9 =	vld [tilespmem:$0x30];
	_ =	sdelay $0x4  }
0x78: {  	v10 =	vperm.xlane v9, v6;
	_ =	sdelay $0x1  }
0x79: {  	v9 =	vperm.xlane v9, v8;
	v10 =	vadd.s32 v7, v10;
	_ =	sdelay $0x1  }
0x7a: {  	v9 =	vadd.s32 v7, v9;
	_ =	sdelay $0x1  }
0x7b: {  	s5 =	rddreg [dreg:$0xb]  }
0x7c: {  	[tilespmem:s5], [sflag:$0x1] =	stream.indirect_vreg.gather [hbm4b:s1+s3], $0x80, v10, vm0, $0xb8;
	[tilespmem:$0x14300] =	vst v63  }
0x7d: {  	s6 =	rddreg [dreg:$0xc]  }
0x7e: {  	[tilespmem:s6], [sflag:$0x1] =	stream.indirect_vreg.gather [hbm4b:s1+s3], $0x80, v9, vm0, $0xb8;
	[tilespmem:$0x14300] =	vst v63  }
0x7f: {  	v9 =	vld [tilespmem:$0x40];
	_ =	sdelay $0x4  }
0x80: {  	v10 =	vperm.xlane v9, v6;
	_ =	sdelay $0x1  }
0x81: {  	v9 =	vperm.xlane v9, v8;
	v10 =	vadd.s32 v7, v10;
	_ =	sdelay $0x1  }
0x82: {  	v9 =	vadd.s32 v7, v9;
	_ =	sdelay $0x1  }
0x83: {  	s5 =	rddreg [dreg:$0xd]  }
0x84: {  	[tilespmem:s5], [sflag:$0x1] =	stream.indirect_vreg.gather [hbm4b:s1+s3], $0x80, v10, vm0, $0xb8;
	[tilespmem:$0x14300] =	vst v63  }
0x85: {  	s6 =	rddreg [dreg:$0xe]  }
0x86: {  	[tilespmem:s6], [sflag:$0x1] =	stream.indirect_vreg.gather [hbm4b:s1+s3], $0x80, v9, vm0, $0xb8;
	[tilespmem:$0x14300] =	vst v63  }
0x87: {  	v9 =	vld [tilespmem:$0x0];
	_ =	sdelay $0x4  }
0x88: {  	v10 =	vperm.xlane v9, v6;
	_ =	sdelay $0x1  }
0x89: {  	v9 =	vperm.xlane v9, v8;
	v10 =	vadd.s32 v7, v10;
	_ =	sdelay $0x1  }
0x8a: {  	v9 =	vadd.s32 v7, v9;
	_ =	sdelay $0x2  }
0x8b: {  	[tilespmem:s14], [sflag:$0x1] =	stream.indirect_vreg.gather [hbm4b:s4+s3], $0x80, v10, vm0, $0xb8;
	[tilespmem:$0x14300] =	vst v63  }
0x8c: {  	s6 =	rddreg [dreg:$0xf]  }
0x8d: {  	[tilespmem:s6], [sflag:$0x1] =	stream.indirect_vreg.gather [hbm4b:s4+s3], $0x80, v9, vm0, $0xb8;
	[tilespmem:$0x14300] =	vst v63  }
0x8e: {  	v9 =	vld [tilespmem:$0x10];
	_ =	sdelay $0x4  }
0x8f: {  	v10 =	vperm.xlane v9, v6;
	_ =	sdelay $0x1  }
0x90: {  	v9 =	vperm.xlane v9, v8;
	v10 =	vadd.s32 v7, v10;
	_ =	sdelay $0x1  }
0x91: {  	v9 =	vadd.s32 v7, v9;
	_ =	sdelay $0x1  }
0x92: {  	s5 =	rddreg [dreg:$0x10]  }
0x93: {  	[tilespmem:s5], [sflag:$0x1] =	stream.indirect_vreg.gather [hbm4b:s4+s3], $0x80, v10, vm0, $0xb8;
	[tilespmem:$0x14300] =	vst v63  }
0x94: {  	s6 =	rddreg [dreg:$0x11]  }
0x95: {  	[tilespmem:s6], [sflag:$0x1] =	stream.indirect_vreg.gather [hbm4b:s4+s3], $0x80, v9, vm0, $0xb8;
	[tilespmem:$0x14300] =	vst v63  }
0x96: {  	v9 =	vld [tilespmem:$0x20];
	_ =	sdelay $0x4  }
0x97: {  	v10 =	vperm.xlane v9, v6;
	_ =	sdelay $0x1  }
0x98: {  	v9 =	vperm.xlane v9, v8;
	v10 =	vadd.s32 v7, v10;
	_ =	sdelay $0x1  }
0x99: {  	v9 =	vadd.s32 v7, v9;
	_ =	sdelay $0x1  }
0x9a: {  	s5 =	rddreg [dreg:$0x12]  }
0x9b: {  	[tilespmem:s5], [sflag:$0x1] =	stream.indirect_vreg.gather [hbm4b:s4+s3], $0x80, v10, vm0, $0xb8;
	[tilespmem:$0x14300] =	vst v63  }
0x9c: {  	s6 =	rddreg [dreg:$0x13]  }
0x9d: {  	[tilespmem:s6], [sflag:$0x1] =	stream.indirect_vreg.gather [hbm4b:s4+s3], $0x80, v9, vm0, $0xb8;
	[tilespmem:$0x14300] =	vst v63  }
0x9e: {  	v9 =	vld [tilespmem:$0x30];
	_ =	sdelay $0x4  }
0x9f: {  	v10 =	vperm.xlane v9, v6;
	_ =	sdelay $0x1  }
0xa0: {  	v9 =	vperm.xlane v9, v8;
	v10 =	vadd.s32 v7, v10;
	_ =	sdelay $0x1  }
0xa1: {  	v9 =	vadd.s32 v7, v9;
	_ =	sdelay $0x1  }
0xa2: {  	s5 =	rddreg [dreg:$0x14]  }
0xa3: {  	[tilespmem:s5], [sflag:$0x1] =	stream.indirect_vreg.gather [hbm4b:s4+s3], $0x80, v10, vm0, $0xb8;
	[tilespmem:$0x14300] =	vst v63  }
0xa4: {  	s6 =	rddreg [dreg:$0x15]  }
0xa5: {  	[tilespmem:s6], [sflag:$0x1] =	stream.indirect_vreg.gather [hbm4b:s4+s3], $0x80, v9, vm0, $0xb8;
	[tilespmem:$0x14300] =	vst v63  }
0xa6: {  	v9 =	vld [tilespmem:$0x40];
	_ =	sdelay $0x4  }
0xa7: {  	v10 =	vperm.xlane v9, v6;
	_ =	sdelay $0x1  }
0xa8: {  	v9 =	vperm.xlane v9, v8;
	v10 =	vadd.s32 v7, v10;
	_ =	sdelay $0x1  }
0xa9: {  	v9 =	vadd.s32 v7, v9;
	_ =	sdelay $0x1  }
0xaa: {  	s5 =	rddreg [dreg:$0x16]  }
0xab: {  	[tilespmem:s5], [sflag:$0x1] =	stream.indirect_vreg.gather [hbm4b:s4+s3], $0x80, v10, vm0, $0xb8;
	[tilespmem:$0x14300] =	vst v63  }
0xac: {  	s6 =	rddreg [dreg:$0x17];
	s5 =	simm.s32 @!p0 $0x4  }
0xad: {  	[tilespmem:s6], [sflag:$0x1] =	stream.indirect_vreg.gather [hbm4b:s4+s3], $0x80, v9, vm0, $0xb8;
	[tilespmem:$0x14300] =	vst v63  }
0xae: {  	_ =	swait.ge @!p0 [sflag:s5], $0x5000  }
0xaf: {  	[sflag:s5] =	ssyncset.done @!p0 $0x0  }
0xb0: {  	[sflag:s5] =	ssyncadd.s32 @!p0 $0xFFFFB000  }
0xb1: {  	_ =	swait.ge @!p0 [sflag:s5], $0x5000  }
0xb2: {  	[sflag:s5] =	ssyncset.done @!p0 $0x0  }
0xb3: {  	s6 =	rddreg [dreg:$0x18];
	[sflag:s5] =	ssyncadd.s32 @!p0 $0xFFFFB000  }
0xb4: {  	[tilespmem:s6], [sflag:$0x5] =	stream.linear.gather [hbm4b:s8+s3], $0x50, $0x38;
	[tilespmem:$0x14300] =	vst v63  }
0xb5: {  	_ =	swait.ge [sflag:s11], $0x50  }
0xb6: {  	[sflag:s11] =	ssyncset.done $0x0  }
0xb7: {  	[sflag:s11] =	ssyncadd.s32 $0xFFFFFFB0  }
0xb8: {  	v9 =	vld [tilespmem:$0x80];
	_ =	sdelay $0x7  }
0xb9: {  	v10 =	vld.idx.msk [tilespmem:v9+s10+$0x0], $0xffff  }
0xba: {  	v9 =	vld.idx.msk [tilespmem:v9+s12+$0x0], $0xffff;
	_ =	sdelay $0x3  }
0xbb: {  	[tilespmem:v1+s15+$0x0] =	vst.idx.msk $0xffff, v10  }
0xbc: {  	[tilespmem:v1+s16+$0x0] =	vst.idx.msk $0xffff, v9  }
0xbd: {  	v9 =	vld [tilespmem:$0x90];
	_ =	sdelay $0x7  }
0xbe: {  	v10 =	vld.idx.msk [tilespmem:v9+s10+$0x0], $0xffff  }
0xbf: {  	v9 =	vld.idx.msk [tilespmem:v9+s12+$0x0], $0xffff;
	_ =	sdelay $0x3  }
0xc0: {  	[tilespmem:v2+s15+$0x0] =	vst.idx.msk $0xffff, v10  }
0xc1: {  	[tilespmem:v2+s16+$0x0] =	vst.idx.msk $0xffff, v9  }
0xc2: {  	v9 =	vld [tilespmem:$0xA0];
	_ =	sdelay $0x7  }
0xc3: {  	v10 =	vld.idx.msk [tilespmem:v9+s10+$0x0], $0xffff  }
0xc4: {  	v9 =	vld.idx.msk [tilespmem:v9+s12+$0x0], $0xffff;
	_ =	sdelay $0x3  }
0xc5: {  	[tilespmem:v3+s15+$0x0] =	vst.idx.msk $0xffff, v10  }
0xc6: {  	[tilespmem:v3+s16+$0x0] =	vst.idx.msk $0xffff, v9  }
0xc7: {  	v9 =	vld [tilespmem:$0xB0];
	_ =	sdelay $0x7  }
0xc8: {  	v10 =	vld.idx.msk [tilespmem:v9+s10+$0x0], $0xffff  }
0xc9: {  	v9 =	vld.idx.msk [tilespmem:v9+s12+$0x0], $0xffff;
	_ =	sdelay $0x3  }
0xca: {  	[tilespmem:v4+s15+$0x0] =	vst.idx.msk $0xffff, v10  }
0xcb: {  	[tilespmem:v4+s16+$0x0] =	vst.idx.msk $0xffff, v9  }
0xcc: {  	v9 =	vld [tilespmem:$0xC0];
	_ =	sdelay $0x7  }
0xcd: {  	v10 =	vld.idx.msk [tilespmem:v9+s10+$0x0], $0xffff  }
0xce: {  	v9 =	vld.idx.msk [tilespmem:v9+s12+$0x0], $0xffff;
	_ =	sdelay $0x3  }
0xcf: {  	[tilespmem:v5+s15+$0x0] =	vst.idx.msk $0xffff, v10  }
0xd0: {  	[tilespmem:v5+s16+$0x0] =	vst.idx.msk $0xffff, v9  }
0xd1: {  	v9 =	vld [tilespmem:$0x80];
	_ =	sdelay $0x2  }
0xd2: {  	v10 =	vld [tilespmem:$0x90]  }
0xd3: {  	v11 =	vld [tilespmem:$0xA0]  }
0xd4: {  	v61 =	vld [tilespmem:$0xB0];
	v9 =	vadd.s32 v0, v9  }
0xd5: {  	v62 =	vld [tilespmem:$0xC0];
	v63 =	vperm.xlane v9, v6;
	_ =	sdelay $0x1  }
0xd6: {  	v10 =	vadd.s32 v0, v10;
	[tilespmem:$0x80] =	vst v9;
	v9 =	vperm.xlane v9, v8;
	v14 =	vadd.s32 v7, v63  }
0xd7: {  	[tilespmem:$0x90] =	vst v10;
	v10 =	vadd.s32 v0, v11  }
0xd8: {  	[tilespmem:$0xA0] =	vst v10;
	v10 =	vadd.s32 v0, v61;
	v9 =	vadd.s32 v7, v9  }
0xd9: {  	[tilespmem:$0xB0] =	vst v10;
	v10 =	vadd.s32 v0, v62  }
0xda: {  	[tilespmem:$0xC0] =	vst v10  }
0xdb: {  	[tilespmem:s15], [sflag:$0x2] =	stream.indirect_vreg.gather [hbm4b:s1+s3], $0x80, v14, vm0, $0xb8;
	[tilespmem:$0x14300] =	vst v63  }
0xdc: {  	s6 =	rddreg [dreg:$0x19]  }
0xdd: {  	[tilespmem:s6], [sflag:$0x2] =	stream.indirect_vreg.gather [hbm4b:s1+s3], $0x80, v9, vm0, $0xb8;
	[tilespmem:$0x14300] =	vst v63  }
0xde: {  	v9 =	vld [tilespmem:$0x90];
	_ =	sdelay $0x4  }
0xdf: {  	v10 =	vperm.xlane v9, v6;
	_ =	sdelay $0x1  }
0xe0: {  	v9 =	vperm.xlane v9, v8;
	v10 =	vadd.s32 v7, v10;
	_ =	sdelay $0x1  }
0xe1: {  	v9 =	vadd.s32 v7, v9;
	_ =	sdelay $0x1  }
0xe2: {  	s5 =	rddreg [dreg:$0x1a]  }
0xe3: {  	[tilespmem:s5], [sflag:$0x2] =	stream.indirect_vreg.gather [hbm4b:s1+s3], $0x80, v10, vm0, $0xb8;
	[tilespmem:$0x14300] =	vst v63  }
0xe4: {  	s6 =	rddreg [dreg:$0x1b]  }
0xe5: {  	[tilespmem:s6], [sflag:$0x2] =	stream.indirect_vreg.gather [hbm4b:s1+s3], $0x80, v9, vm0, $0xb8;
	[tilespmem:$0x14300] =	vst v63  }
0xe6: {  	v9 =	vld [tilespmem:$0xA0];
	_ =	sdelay $0x4  }
0xe7: {  	v10 =	vperm.xlane v9, v6;
	_ =	sdelay $0x1  }
0xe8: {  	v9 =	vperm.xlane v9, v8;
	v10 =	vadd.s32 v7, v10;
	_ =	sdelay $0x1  }
0xe9: {  	v9 =	vadd.s32 v7, v9;
	_ =	sdelay $0x1  }
0xea: {  	s5 =	rddreg [dreg:$0x1c]  }
0xeb: {  	[tilespmem:s5], [sflag:$0x2] =	stream.indirect_vreg.gather [hbm4b:s1+s3], $0x80, v10, vm0, $0xb8;
	[tilespmem:$0x14300] =	vst v63  }
0xec: {  	s6 =	rddreg [dreg:$0x1d]  }
0xed: {  	[tilespmem:s6], [sflag:$0x2] =	stream.indirect_vreg.gather [hbm4b:s1+s3], $0x80, v9, vm0, $0xb8;
	[tilespmem:$0x14300] =	vst v63  }
0xee: {  	v9 =	vld [tilespmem:$0xB0];
	_ =	sdelay $0x4  }
0xef: {  	v10 =	vperm.xlane v9, v6;
	_ =	sdelay $0x1  }
0xf0: {  	v9 =	vperm.xlane v9, v8;
	v10 =	vadd.s32 v7, v10;
	_ =	sdelay $0x1  }
0xf1: {  	v9 =	vadd.s32 v7, v9;
	_ =	sdelay $0x1  }
0xf2: {  	s5 =	rddreg [dreg:$0x1e]  }
0xf3: {  	[tilespmem:s5], [sflag:$0x2] =	stream.indirect_vreg.gather [hbm4b:s1+s3], $0x80, v10, vm0, $0xb8;
	[tilespmem:$0x14300] =	vst v63  }
0xf4: {  	s6 =	rddreg [dreg:$0x1f]  }
0xf5: {  	[tilespmem:s6], [sflag:$0x2] =	stream.indirect_vreg.gather [hbm4b:s1+s3], $0x80, v9, vm0, $0xb8;
	[tilespmem:$0x14300] =	vst v63  }
0xf6: {  	v9 =	vld [tilespmem:$0xC0];
	_ =	sdelay $0x4  }
0xf7: {  	v10 =	vperm.xlane v9, v6;
	_ =	sdelay $0x1  }
0xf8: {  	v9 =	vperm.xlane v9, v8;
	v10 =	vadd.s32 v7, v10;
	_ =	sdelay $0x1  }
0xf9: {  	s5 =	sld [smem:$0x7FB];
	v9 =	vadd.s32 v7, v9;
	_ =	sdelay $0x1  }
0xfa: {  	s6 =	sld [smem:$0x7FC]  }
0xfb: {  	[tilespmem:s5], [sflag:$0x2] =	stream.indirect_vreg.gather [hbm4b:s1+s3], $0x80, v10, vm0, $0xb8;
	[tilespmem:$0x14300] =	vst v63  }
0xfc: {  	_ = 	snop  }
0xfd: {  	[tilespmem:s6], [sflag:$0x2] =	stream.indirect_vreg.gather [hbm4b:s1+s3], $0x80, v9, vm0, $0xb8;
	[tilespmem:$0x14300] =	vst v63  }
0xfe: {  	v9 =	vld [tilespmem:$0x80];
	_ =	sdelay $0x4  }
0xff: {  	v10 =	vperm.xlane v9, v6;
	_ =	sdelay $0x1  }
0x100: {  	v9 =	vperm.xlane v9, v8;
	v10 =	vadd.s32 v7, v10;
	_ =	sdelay $0x1  }
0x101: {  	v9 =	vadd.s32 v7, v9;
	_ =	sdelay $0x1  }
0x102: {  	s6 =	sld [smem:$0x7FD]  }
0x103: {  	[tilespmem:s16], [sflag:$0x2] =	stream.indirect_vreg.gather [hbm4b:s4+s3], $0x80, v10, vm0, $0xb8;
	[tilespmem:$0x14300] =	vst v63  }
0x104: {  	_ = 	snop  }
0x105: {  	[tilespmem:s6], [sflag:$0x2] =	stream.indirect_vreg.gather [hbm4b:s4+s3], $0x80, v9, vm0, $0xb8;
	[tilespmem:$0x14300] =	vst v63  }
0x106: {  	v9 =	vld [tilespmem:$0x90];
	_ =	sdelay $0x4  }
0x107: {  	v10 =	vperm.xlane v9, v6;
	_ =	sdelay $0x1  }
0x108: {  	v9 =	vperm.xlane v9, v8;
	v10 =	vadd.s32 v7, v10;
	_ =	sdelay $0x1  }
0x109: {  	v9 =	vadd.s32 v7, v9;
	_ =	sdelay $0x2  }
0x10a: {  	[tilespmem:s17], [sflag:$0x2] =	stream.indirect_vreg.gather [hbm4b:s4+s3], $0x80, v10, vm0, $0xb8;
	[tilespmem:$0x14300] =	vst v63  }
0x10b: {  	_ = 	snop  }
0x10c: {  	[tilespmem:s18], [sflag:$0x2] =	stream.indirect_vreg.gather [hbm4b:s4+s3], $0x80, v9, vm0, $0xb8;
	[tilespmem:$0x14300] =	vst v63  }
0x10d: {  	v9 =	vld [tilespmem:$0xA0];
	_ =	sdelay $0x4  }
0x10e: {  	v10 =	vperm.xlane v9, v6;
	_ =	sdelay $0x1  }
0x10f: {  	v9 =	vperm.xlane v9, v8;
	v10 =	vadd.s32 v7, v10;
	_ =	sdelay $0x1  }
0x110: {  	v9 =	vadd.s32 v7, v9;
	_ =	sdelay $0x2  }
0x111: {  	[tilespmem:s19], [sflag:$0x2] =	stream.indirect_vreg.gather [hbm4b:s4+s3], $0x80, v10, vm0, $0xb8;
	[tilespmem:$0x14300] =	vst v63  }
0x112: {  	_ = 	snop  }
0x113: {  	[tilespmem:s20], [sflag:$0x2] =	stream.indirect_vreg.gather [hbm4b:s4+s3], $0x80, v9, vm0, $0xb8;
	[tilespmem:$0x14300] =	vst v63  }
0x114: {  	v9 =	vld [tilespmem:$0xB0];
	_ =	sdelay $0x4  }
0x115: {  	v10 =	vperm.xlane v9, v6;
	_ =	sdelay $0x1  }
0x116: {  	v9 =	vperm.xlane v9, v8;
	v10 =	vadd.s32 v7, v10;
	_ =	sdelay $0x1  }
0x117: {  	v9 =	vadd.s32 v7, v9;
	_ =	sdelay $0x2  }
0x118: {  	[tilespmem:s21], [sflag:$0x2] =	stream.indirect_vreg.gather [hbm4b:s4+s3], $0x80, v10, vm0, $0xb8;
	[tilespmem:$0x14300] =	vst v63  }
0x119: {  	_ = 	snop  }
0x11a: {  	[tilespmem:s22], [sflag:$0x2] =	stream.indirect_vreg.gather [hbm4b:s4+s3], $0x80, v9, vm0, $0xb8;
	[tilespmem:$0x14300] =	vst v63  }
0x11b: {  	v9 =	vld [tilespmem:$0xC0];
	_ =	sdelay $0x4  }
0x11c: {  	v10 =	vperm.xlane v9, v6;
	_ =	sdelay $0x1  }
0x11d: {  	v9 =	vperm.xlane v9, v8;
	v10 =	vadd.s32 v7, v10;
	_ =	sdelay $0x1  }
0x11e: {  	v9 =	vadd.s32 v7, v9;
	_ =	sdelay $0x2  }
0x11f: {  	[tilespmem:s23], [sflag:$0x2] =	stream.indirect_vreg.gather [hbm4b:s4+s3], $0x80, v10, vm0, $0xb8;
	[tilespmem:$0x14300] =	vst v63  }
0x120: {  	_ = 	snop  }
0x121: {  	[tilespmem:s24], [sflag:$0x2] =	stream.indirect_vreg.gather [hbm4b:s4+s3], $0x80, v9, vm0, $0xb8;
	[tilespmem:$0x14300] =	vst v63  }
0x122: {  	_ =	swait.ge [sflag:s25], $0x2800  }
0x123: {  	[sflag:s25] =	ssyncset.done $0x0  }
0x124: {  	[sflag:s25] =	ssyncadd.s32 $0xFFFFD800  }
0x125: {  	_ =	swait.ge [sflag:s25], $0x2800  }
0x126: {  	s5 =	rddreg [dreg:$0x4];
	[sflag:s25] =	ssyncset.done $0x0  }
0x127: {  	s6 =	rddreg [dreg:$0x5];
	[sflag:s25] =	ssyncadd.s32 $0xFFFFD800;
	s5 =	sadd.s32 s0, s5  }
0x128: {  	[hbm4b:s5+s3] =	stream.linear.scatter [tilespmem:s13], [sflag:$0x3], $0x5000, $0x38;
	[tilespmem:$0x14300] =	vst v63  }
0x129: {  	s6 =	sadd.s32 s0, s6  }
0x12a: {  	[hbm4b:s6+s3] =	stream.linear.scatter [tilespmem:s14], [sflag:$0x3], $0x5000, $0x38;
	[tilespmem:$0x14300] =	vst v63  }
0x12b: {  	_ =	swait.ge [sflag:s26], $0x2800  }
0x12c: {  	[sflag:s26] =	ssyncset.done $0x0  }
0x12d: {  	s0 =	sadd.s32 $0x1400, s0;
	[sflag:s26] =	ssyncadd.s32 $0xFFFFD800  }
0x12e: {  	p0 =	sne.s32 s0, $0xC8000;
	_ =	swait.ge [sflag:s26], $0x2800  }
.Ltmp0:
0x12f: {  	[sflag:s26] =	ssyncset.done $0x0;
	(pc) =	sbr.rel @p0 .LBB2_2-.Ltmp0, $4  }
0x130: {  	s5 =	sadd.s32 $0xA00, s5;
	[sflag:s26] =	ssyncadd.s32 $0xFFFFD800  }
0x131: {  	[hbm4b:s5+s3] =	stream.linear.scatter [tilespmem:s15], [sflag:$0x4], $0x5000, $0x38;
	[tilespmem:$0x14300] =	vst v63  }
0x132: {  	s31 =	sadd.s32 $0x14, s31;
	s8 =	sadd.s32 $0x14, s8;
	s6 =	sadd.s32 $0xA00, s6  }
0x133: {  	[hbm4b:s6+s3] =	stream.linear.scatter [tilespmem:s16], [sflag:$0x4], $0x5000, $0x38;
	[tilespmem:$0x14300] =	vst v63  }
0x134: {  	_ =	swait.ge [sflag:s28], $0x5000  }
0x135: {  	[sflag:s28] =	ssyncset.done $0x0  }
0x136: {  	[sflag:s28] =	ssyncadd.s32 $0xFFFFB000  }
0x137: {  	_ =	swait.ge [sflag:s28], $0x5000  }
0x138: {  	[sflag:s28] =	ssyncset.done $0x0  }
0x139: {  	s30 =	sadd.s32 $0x1, s30;
	[sflag:s28] =	ssyncadd.s32 $0xFFFFB000  }
0x13a: {  	p0 =	sne.s32 s30, s7;
	_ =	swait.ge [sflag:s29], $0x5000  }
.Ltmp1:
0x13b: {  	[sflag:s29] =	ssyncset.done $0x0;
	(pc) =	sbr.rel @p0 .LBB2_1-.Ltmp1, $4  }
0x13c: {  	[sflag:s29] =	ssyncadd.s32 $0xFFFFB000  }
0x13d: {  	_ =	swait.ge [sflag:s29], $0x5000  }
0x13e: {  	[sflag:s29] =	ssyncset.done $0x0  }
0x13f: {  	[sflag:s29] =	ssyncadd.s32 $0xFFFFB000  }
0x140: {  	_ =	sfence.sel $0x180000  }
0x141: {  	[bflag:$0x0] =	sbarrier.arrive $0xFFFF  }
0x142: {  	_ =	strace $0x90000047  }
0x143: {  	s0 =	stileid.u32;
	[bflag:$0x2] =	sbarrier.arrive $0xFFFF  }
0x144: {  	p0 =	sne.s32 s0, $0x0;
	s0 =	rddreg [dreg:$0x3]  }
0x145: {  	s0 =	sadd.s32 @!p0 $0x100000, s0  }
0x146: {  	[sflag:s0] =	ssyncadd.tile.s32 @!p0 $0x1;
	_ =	shalt  }
.Lfunc_end2:
_tile_overlayer_lowered:
.L_overlay_start_2:
0x147: {  	(tag) =	ssettag $0x2  }
0x148: {  	s0 =	rddreg [dreg:$0x0];
	s2 =	stileid.u32  }
0x149: {  	s1 =	rddreg [dreg:$0x1];
	p0 =	sne.s32 s2, $0x0  }
0x14a: {  	s3 =	rddreg [dreg:$0x2];
	[bflag:$0x3] =	sbarrier.arrive $0xFFFF;
	s2 =	simm.s32 @!p0 $0x1C05  }
0x14b: {  	[timem:s3], [sflag:s2] =	dma.local @!p0 [hbm:s0], s1  }
0x14c: {  	s0 =	simm.s32 @!p0 $0x5  }
0x14d: {  	_ =	swait.ge @!p0 [sflag:s0], s1  }
0x14e: {  	s1 =	ssub.s32 @!p0 $0x0, s1;
	[sflag:s0] =	ssyncset.done @!p0 $0x0  }
0x14f: {  	[sflag:s0] =	ssyncadd.s32 @!p0 s1  }
0x150: {  	[bflag:$0x3] =	sbarrier.arrive $0xFFFF  }
0x151: {  	_ =	shalt  }

// kernel: sparse-core-data-format-call.1.cloned.1.call-start
scs
called_computation.1_lowered:
.L_overlay_start_0:
0x0: {  	s2 =	sld [smem:$0x3FD9]  }
0x1: {  	s3 =	sld [smem:$0x3FFE];
	_ =	sdelay $0x1  }
0x2: {  	s1 =	srdreg.scid  }
0x3: {  	s0 =	sand.u32 $0x1, s1  }
0x4: {  	s16 =	sshll.u32 s0, $0xA;
	s2 =	sadd.s32 s3, s2  }
0x5: {  	s2 =	sadd.s32 s2, s16  }
0x6: {  	[smem:$0x3FC5] =	sst s2  }
0x7: {  	_ = 	snop  }
0x8: {  	s2 =	sld [smem:$0x3FD0];
	_ =	sdelay $0x2  }
0x9: {  	s17 =	simm.s32 $0xB;
	s4 =	simm.s32 $0x10  }
0xa: {  	[smem:s4], [sflag:s17] =	dma.local [hbm:s2], $0x1  }
0xb: {  	_ =	swait.eq [sflag:s17], $0x1  }
0xc: {  	[sflag:s17] =	ssyncset.done $0x0  }
0xd: {  	[sflag:s17] =	ssyncadd.s32 $0xFFFFFFFF  }
0xe: {  	s18 =	sld [smem:$0x10];
	(tm) =	ssettm $0x1  }
0xf: {  	s19 =	sld [smem:$0x3FFB];
	_ =	sdelay $0x3  }
0x10: {  	_ =	strace s19  }
0x11: {  	s2 =	sld [smem:$0x3FFC];
	_ =	sdelay $0x3  }
0x12: {  	_ =	strace s2  }
0x13: {  	s2 =	sld [smem:$0x3FFD];
	_ =	sdelay $0x3  }
0x14: {  	_ =	strace s2  }
0x15: {  	_ =	strace $0x8FFFFFFF  }
0x16: {  	s20 =	sld [smem:$0x3FDB];
	_ =	sdelay $0x1  }
0x17: {  	s21 =	simm.s32 $_scs_section_size  }
0x18: {  	s5 =	simm.s32 $_size__tile_overlayer_lowered;
	s6 =	simm.s32 $_tile_overlayer_lowered  }
0x19: {  	s7 =	simm.s32 $0x1BFF;
	s22 =	sshll.u32 s6, $0x1;
	s4 =	sadd.s32 s21, s20  }
0x1a: {  	s23 =	simm.s32 $0x0;
	s5 =	sshll.u32 s5, $0x1;
	s6 =	sadd.s32 s22, s4  }
0x1b: {  	[timem:s23], [sflag:s7] =	dma.local [hbm:s6], s5  }
0x1c: {  	_ =	swait.ge [sflag:s7], s5  }
0x1d: {  	s5 =	ssub.s32 $0x0, s5;
	[sflag:s7] =	ssyncset.done $0x0  }
0x1e: {  	[sflag:s7] =	ssyncadd.s32 s5;
	_ =	sdelay $0x1  }
0x1f: {  	s24 =	simm.s32 $0x1B8B  }
0x20: {  	_ =	swait.ge [sflag:s24], $0x1  }
0x21: {  	[sflag:s24] =	ssyncset.done $0x0  }
0x22: {  	[sflag:s24] =	ssyncadd.s32 $0xFFFFFFFF  }
0x23: {  	s5 =	sld [smem:$0x0]  }
0x24: {  	s6 =	sand.u32 $0xFFFFFFFE, s1  }
0x25: {  	p0 =	sne.s32 s1, s6  }
0x26: {  	s6 =	sshll.u32 @p0 s6, $0xE  }
0x27: {  	s6 =	sadd.s32 @p0 $0x11B8D, s6;
	s7 =	sshll.u32 @p0 s5, $0x11  }
0x28: {  	s6 =	sor.u32 @p0 s7, s6  }
0x29: {  	[sflag:s6] =	ssyncadd.remote.s32 @p0 $0x1;
	_ =	sdelay $0x1  }
0x2a: {  	s6 =	simm.s32 @p0 $0x1B8D  }
0x2b: {  	_ =	swait.eq @p0 [sflag:s6], $0x1  }
0x2c: {  	[sflag:s6] =	ssyncadd.s32 @p0 $0xFFFFFFFF  }
0x2d: {  	s7 =	sshll.u32 @!p0 s1, $0xE  }
0x2e: {  	s7 =	sor.u32 @!p0 $0x4000, s7;
	s6 =	simm.s32 @!p0 $0x1B8D  }
0x2f: {  	s5 =	sshll.u32 @!p0 s5, $0x11;
	s7 =	sadd.s32 @!p0 $0x11B8D, s7;
	_ =	swait.eq @!p0 [sflag:s6], $0x1  }
0x30: {  	s5 =	sor.u32 @!p0 s5, s7;
	[sflag:s6] =	ssyncadd.s32 @!p0 $0xFFFFFFFF  }
0x31: {  	s26 =	simm.s32 $0x1B8E;
	s25 =	sld [smem:$0x3FFE];
	[sflag:s5] =	ssyncadd.remote.s32 @!p0 $0x1  }
0x32: {  	s27 =	simm.s32 $execute0_lowered;
	[smem:$0x3FD2] =	sst s26  }
0x33: {  	s6 =	sshll.u32 s27, $0x1;
	_ =	strace $0x8000004C;
	[dreg:$0x1] =	wrdreg $0xFFFFFFFF  }
0x34: {  	s28 =	simm.s32 $_size_execute0_lowered;
	s4 =	sadd.s32 s4, s6;
	[dreg:$0x0] =	wrdreg $0x0  }
0x35: {  	s6 =	sshll.u32 s28, $0x1;
	[dreg:$0x2] =	wrdreg s4  }
0x36: {  	[dreg:$0x3] =	wrdreg s6  }
0x37: {  	[dreg:$0x4] =	wrdreg $0xC0  }
0x38: {  	_ =	task [dreg:s23], $0x5FFFF  }
0x39: {  	[dreg:$0x1] =	wrdreg $0xFFFFFFFF  }
0x3a: {  	[dreg:$0x0] =	wrdreg $0x60  }
0x3b: {  	[dreg:$0x2] =	wrdreg s25  }
0x3c: {  	[dreg:$0x3] =	wrdreg s18  }
0x3d: {  	[dreg:$0x4] =	wrdreg $0xA  }
0x3e: {  	_ =	task.clear_ibuf [dreg:s23], $0x5FFFF;
	_ =	strace $0x9000004C  }
0x3f: {  	s29 =	simm.s32 $0xA;
	_ =	strace $0x8000004E  }
0x40: {  	_ =	swait.ge [sflag:s29], $0x1  }
0x41: {  	[sflag:s29] =	ssyncadd.s32 $0xFFFFFFFF  }
0x42: {  	_ =	strace $0x9000004E  }
0x43: {  	_ =	sfence  }
0x44: {  	s30 =	sld [smem:$0x0];
	_ =	sdelay $0x2  }
0x45: {  	s31 =	sshll.u32 s1, $0xD;
	s1 =	sshrl.u32 s1, $0x2  }
0x46: {  	s4 =	sand.u32 $0x4000, s31;
	s1 =	sadd.s32 s1, s30  }
0x47: {  	s0 =	sor.u32 s4, s0;
	s1 =	sshll.u32 s1, $0x11  }
0x48: {  	s0 =	sor.u32 s1, s0  }
0x49: {  	s0 =	sadd.s32 $0x8F2B, s0  }
0x4a: {  	[sflag:s0] =	ssyncadd.remote.s32 $0x1  }
0x4b: {  	_ =	sfence.sel $0xFFFF  }
0x4c: {  	[dreg:$0x0] =	wrdreg $0xFFFFFFFF;
	(pc) =	sbr.abs _section_cstart, $3  }
0x4d: {  	[dreg:$0x1] =	wrdreg $0xFFFFFFFF  }
0x4e: {  	_ =	task.clear_ibuf [dreg:s23], $0x2FFFF;
	_ =	strace $0x9FFFFFFF  }
0x4f: {  	(tm) =	ssettm $0x7FFFFFFF  }
tec
execute0_lowered:
.L_overlay_start_1:
0x0: {  	(tag) =	ssettag $0x1  }
0x1: {  	s0 =	srdreg.scid;
	s6 =	rddreg [dreg:$0x0]  }
0x2: {  	s3 =	rddreg [dreg:$0x1];
	s1 =	sshll.u32 s0, $0x4  }
0x3: {  	s5 =	simm.s32 $0x1;
	s0 =	stileid.u32;
	s1 =	sand.u32 $0x10, s1  }
0x4: {  	s31 =	simm.s32 $0x2;
	s18 =	simm.s32 $0x0;
	s1 =	sor.u32 s0, s1  }
0x5: {  	s8 =	simm.s32 $0xC8000;
	s17 =	simm.s32 $0x0;
	s2 =	sshll.u32 s1, $0x7  }
0x6: {  	s16 =	simm.s32 $0x0;
	s9 =	simm.s32 $0x0;
	s4 =	ssub.s32 $0x1000, s2  }
0x7: {  	s10 =	simm.s32 $0x0;
	s11 =	simm.s32 $0x0;
	s30 =	sand.u32 $0xF80, s4  }
0x8: {  	s12 =	simm.s32 $0x0;
	s13 =	simm.s32 $0x0;
	p0 =	sne.s32 s30, $0x0  }
.Ltmp0:
0x9: {  	s7 =	sshrl.u32 s4, $0xC;
	s5 =	simm.s32 @!p0 $0x0;
	(pc) =	sbr.rel .LBB1_1-.Ltmp0, $4  }
0xa: {  	s15 =	simm.s32 $0x0;
	s1 =	rddreg [dreg:$0x2];
	s5 =	sadd.s32 s5, s7  }
0xb: {  	_ =	strace $0x8000004D;
	s4 =	simm.s32 $0x1;
	s5 =	smul.u32 $0x190, s5  }
0xc: {  	s6 =	sadd.s32 $0x1912400, s6;
	s14 =	smov.u32 s2;
	[sflag:s4] =	ssyncpa.u1 $0x0  }
0xd: {  	[sflag:s31] =	ssyncpa.u1 $0x0;
	p0 =	por $0x0, $0x0;
	s7 =	sor.u32 $0x1, s5  }
.LBB1_4:
0xe: {  	s24 =	sshll.u32 s10, $0xC;
	s25 =	sshll.u32 s11, $0x3  }
0xf: {  	s23 =	sshra.s32 s23, $0x2;
	p1 =	sgt.s32 s10, $0xC7;
	s29 =	sshra.s32 s10, $0x1F  }
0x10: {  	s27 =	smov.u32 s11;
	s28 =	sshra.s32 s11, $0x1F;
	s24 =	sand.u32 $0xFFFF8000, s24  }
0x11: {  	s26 =	sand.u32 $0xFFFFFC00, s25;
	s22 =	sadd.s32 s23, s22;
	s28 =	sand.u32 s28, s11  }
0x12: {  	s25 =	sand.u32 $0xC00, s25;
	s23 =	sadd.s32 s26, s24;
	s24 =	smov.u32 s10  }
0x13: {  	s26 =	sand.u32 s29, s10;
	s24 =	simm.s32 @!p1 $0xC7;
	p1 =	sgt.s32 s11, $0xF80  }
0x14: {  	s29 =	sshra.s32 s9, $0x1F;
	s23 =	sshrl.u32 s23, $0xC;
	s27 =	simm.s32 @!p1 $0xF80  }
0x15: {  	p1 =	sgt.s32 s9, $0x1;
	s24 =	ssub.s32 s24, s26;
	s26 =	smov.u32 s9  }
0x16: {  	v5 =	vld [tilespmem:s20+$0xFFFFFFD0];
	[tilespmem:s21+$0x2040 ss:$0x81] =	vst.msk $0xffff, v4;
	s26 =	simm.s32 @!p1 $0x1;
	s27 =	ssub.s32 s27, s28;
	s30 =	sadd.s32 $0xFFFFFF39, s24  }
0x17: {  	v58 =	vld [tilespmem:s20+$0xFFFFFFE0];
	[tilespmem:s21+$0x2850 ss:$0x81] =	vst.msk $0xffff, v3;
	s24 =	ssub.s32 $0xC8, s24;
	s28 =	sand.u32 s29, s9;
	s29 =	sand.u32 $0x78, s11  }
0x18: {  	v59 =	vld [tilespmem:s20+$0xFFFFFFF0];
	[tilespmem:s21+$0x3060 ss:$0x81] =	vst.msk $0xffff, v2;
	p1 =	sgt.s32 s30, $0x0;
	s31 =	sadd.s32 $0xFFFFF080, s27;
	s27 =	ssub.s32 $0x1000, s27  }
0x19: {  	v60 =	vld [tilespmem:s20+$0x0];
	[tilespmem:s21+$0x0 ss:$0x81] =	vst.msk $0xffff, v0;
	s30 =	smulhi.u32 $0x147AE15, s23;
	s28 =	sxor.u32 $0xFFFFFFFF, s28;
	s25 =	sor.u32 s29, s25  }
0x1a: {  	v61 =	vld [tilespmem:s20+$0x10];
	[tilespmem:s22+$0x3870 ss:$0x81] =	vst.msk $0xffff, v1;
	s29 =	sand.u32 $0x7, s11;
	s24 =	simm.s32 @p1 $0x0;
	p1 =	sgt.s32 s31, $0x7F  }
0x1b: {  	v62 =	vld [tilespmem:s20+$0x20];
	[tilespmem:s22+$0x810 ss:$0x81] =	vst.msk $0xffff, v5;
	s26 =	sadd.s32 s28, s26;
	s31 =	sshll.u32 s10, $0x7;
	s30 =	smul.u32 $0xC8, s30  }
0x1c: {  	v63 =	vld [tilespmem:s20+$0xFFFFFFC0];
	[tilespmem:s22+$0x1020 ss:$0x81] =	vst.msk $0xffff, v58;
	s27 =	simm.s32 @p1 $0x0;
	s28 =	sand.u32 $0x380, s31;
	s31 =	smul.u32 $0x19000, s9  }
0x1d: {  	[tilespmem:s22+$0x1830 ss:$0x81] =	vst.msk $0xffff, v59;
	p1 =	sgt.s32 s26, $0x7F;
	s21 =	ssub.s32 $0x80, s26;
	s24 =	smul.u32 s27, s24  }
0x1e: {  	[tilespmem:s22+$0x2040 ss:$0x81] =	vst.msk $0xffff, v60;
	s21 =	simm.s32 @p1 $0x0;
	s25 =	sor.u32 s28, s25;
	s20 =	ssub.s32 s23, s30  }
0x1f: {  	[tilespmem:s22+$0x2850 ss:$0x81] =	vst.msk $0xffff, v61;
	s27 =	sshrl.u32 s25, $0x3;
	s28 =	sadd.s32 s3, s31;
	s21 =	smul.u32 s21, s24  }
0x20: {  	[tilespmem:s22+$0x3060 ss:$0x81] =	vst.msk $0xffff, v62;
	s30 =	sshll.u32 s29, $0x12;
	s20 =	sshll.u32 s20, $0x9;
	s23 =	sadd.s32 s27, s28  }
0x21: {  	[tilespmem:s22+$0x0 ss:$0x81] =	vst.msk $0xffff, v63;
	s31 =	sor.u32 $0x80, s30;
	s20 =	sadd.s32 s20, s23;
	s21 =	sand.u32 $0x3FFFFFFF, s21  }
0x22: {  	[hbm4b:s20+s31] =	stream.strided.scatter [tilespmem:s19], [sflag:$0x2], s21, s8, s31, $0x20;
	[tilespmem:$0x10100] =	vst v63  }
.LBB1_5:
0x23: {  	p1 =	slt.u32 s15, $0x2  }
0x24: {  	s19 =	smov.u32 s18;
	p2 =	sgt.s32 @!p1 s18, $0x1;
	s20 =	sshra.s32 @!p1 s18, $0x1F  }
0x25: {  	s21 =	sshra.s32 @!p1 s17, $0x1F;
	p2 =	por !p2, p1;
	s18 =	sand.u32 @!p1 s20, s18  }
0x26: {  	s20 =	smov.u32 s17;
	s19 =	simm.s32 @p2 $0x1;
	p2 =	sgt.s32 @!p1 s17, $0xC7  }
0x27: {  	s18 =	sxor.u32 @!p1 $0xFFFFFFFF, s18;
	s17 =	sand.u32 @!p1 s21, s17;
	p2 =	por !p2, p1  }
0x28: {  	s21 =	sshra.s32 @!p1 s16, $0x1F;
	s20 =	simm.s32 @p2 $0xC7;
	p2 =	sgt.s32 @!p1 s16, $0xF80  }
0x29: {  	s17 =	ssub.s32 @!p1 s20, s17;
	p2 =	por !p2, p1;
	s20 =	smov.u32 s16  }
0x2a: {  	s16 =	sand.u32 @!p1 s21, s16;
	s21 =	sadd.s32 @!p1 $0xFFFFFF39, s17;
	s20 =	simm.s32 @p2 $0xF80  }
0x2b: {  	s18 =	sadd.s32 @!p1 s18, s19;
	p2 =	sgt.s32 @!p1 s21, $0x0;
	s16 =	ssub.s32 @!p1 s20, s16  }
0x2c: {  	s17 =	ssub.s32 @!p1 $0xC8, s17;
	p2 =	por !p2, p1;
	s19 =	sadd.s32 @!p1 $0xFFFFF080, s16  }
0x2d: {  	s17 =	simm.s32 @!p2 $0x0;
	p2 =	sgt.s32 @!p1 s19, $0x7F  }
0x2e: {  	s16 =	ssub.s32 @!p1 $0x1000, s16;
	p2 =	por !p2, p1  }
0x2f: {  	p3 =	sgt.s32 @!p1 s18, $0x7F;
	s19 =	sadd.s32 $0x80, s12;
	s16 =	simm.s32 @!p2 $0x0  }
0x30: {  	p2 =	sgt.s32 s19, $0x80;
	s16 =	smul.u32 @!p1 s16, s17;
	s17 =	simm.s32 $0x1  }
0x31: {  	s18 =	ssub.s32 @!p1 $0x80, s18;
	p3 =	por !p3, p1;
	s17 =	simm.s32 @!p2 $0x0  }
0x32: {  	p0 =	por !p0, !p0;
	s18 =	simm.s32 @!p3 $0x0;
	s20 =	sadd.s32 s17, s13  }
0x33: {  	s21 =	smov.u32 s14;
	s17 =	sadd.s32 $0x1000, s14;
	p3 =	sgt.s32 s20, $0xC7  }
0x34: {  	s22 =	simm.s32 @!p1 $0x2;
	s19 =	simm.s32 @p2 $0x0;
	s21 =	smov.u32 @p3 s17  }
0x35: {  	s16 =	smul.u32 @!p1 s18, s16;
	s18 =	smov.u32 s9;
	p2 =	sgt.s32 s21, $0xFFF  }
0x36: {  	s9 =	smov.u32 s12;
	s21 =	smov.u32 @p2 s2;
	p2 =	sne.s32 s15, s7  }
.Ltmp1:
0x37: {  	s12 =	smov.u32 s19;
	s16 =	sand.u32 @!p1 $0x3FFFFFFF, s16;
	(pc) =	sbr.rel @!p2 .LBB1_6-.Ltmp1, $4  }
0x38: {  	s20 =	simm.s32 @p3 $0x0;
	s17 =	smov.u32 s10;
	s10 =	smov.u32 s13  }
0x39: {  	_ =	swait.ge @!p1 [sflag:s22], s16;
	s23 =	ssub.s32 @!p1 $0x0, s16;
	s16 =	smov.u32 s11  }
0x3a: {  	s11 =	smov.u32 s14;
	s13 =	smov.u32 s20;
	[sflag:s22] =	ssyncset.done @!p1 $0x0  }
0x3b: {  	s15 =	sadd.s32 $0x1, s15;
	[sflag:s22] =	ssyncadd.s32 @!p1 s23;
	s14 =	smov.u32 s21  }
.LBB1_1:
0x3c: {  	p1 =	sge.u32 s15, s5  }
0x3d: {  	s19 =	sshll.u32 @!p1 s13, $0x8;
	s20 =	sshll.u32 @!p1 s12, $0x3  }
0x3e: {  	s21 =	sshll.u32 @!p1 s13, $0x7;
	s19 =	sand.u32 @!p1 $0xFFFFF800, s19;
	s20 =	sand.u32 @!p1 $0xFFFFFC00, s20  }
0x3f: {  	s19 =	sadd.s32 @!p1 s19, s20;
	s20 =	sand.u32 @!p1 $0x300, s21  }
0x40: {  	s19 =	sor.u32 @!p1 s20, s19  }
0x41: {  	s19 =	sshrl.u32 @!p1 s19, $0x8  }
0x42: {  	s31 =	sadd.s32 $0xFFFFFFFF, s15;
	s20 =	smulhi.u32 @!p1 $0x147AE15, s19  }
0x43: {  	s22 =	sxor.u32 @!p1 $0xFFFFFFFF, s15;
	s23 =	sand.u32 @!p1 $0x78, s12;
	s24 =	smul.u32 @!p1 $0x1900, s14  }
0x44: {  	s22 =	sshll.u32 @!p1 s22, $0xE;
	s21 =	sand.u32 @!p1 $0x80, s21;
	s20 =	smul.u32 @!p1 $0xC8, s20  }
0x45: {  	s22 =	sand.u32 @!p1 $0x4000, s22;
	s21 =	sor.u32 @!p1 s23, s21;
	s23 =	sand.u32 @!p1 $0x7, s12  }
0x46: {  	s19 =	ssub.s32 @!p1 s19, s20;
	s20 =	sshrl.u32 @!p1 s21, $0x3;
	s21 =	sadd.s32 @!p1 s6, s24  }
0x47: {  	s19 =	sshll.u32 @!p1 s19, $0x5;
	s20 =	sadd.s32 @!p1 s20, s21;
	s21 =	sshll.u32 @!p1 s23, $0x12  }
0x48: {  	s19 =	sadd.s32 @!p1 s19, s20;
	s20 =	sor.u32 @!p1 $0x80, s21;
	s21 =	simm.s32 @!p1 $0xC800  }
0x49: {  	[tilespmem:s22], [sflag:$0x1] =	stream.strided.gather @!p1 [hbm4b:s19+s20], $0x4000, s21, s20, $0x38;
	[tilespmem:$0x10100] =	vst v63  }
0x4a: {  	p1 =	sge.u32 s31, s5  }
.Ltmp2:
0x4b: {  	_ = 	snop;
	(pc) =	sbr.rel @p1 .LBB1_5-.Ltmp2, $1  }
0x4c: {  	_ =	sdelay $0x3  }
0x4d: {  	s19 =	simm.s32 $0x1  }
0x4e: {  	_ =	swait.ge [sflag:s4], $0x4000;
	s19 =	simm.s32 @!p0 $0x0  }
0x4f: {  	[sflag:s4] =	ssyncset.done $0x0;
	s20 =	sshll.u32 s19, $0xE  }
0x50: {  	[sflag:s4] =	ssyncadd.s32 $0xFFFFC000;
	s20 =	sor.u32 $0x40, s20  }
0x51: {  	s19 =	smul.u32 $0x10200, s19;
	v0 =	vld [tilespmem:s20+$0x30]  }
0x52: {  	v1 =	vld [tilespmem:s20+$0xFFFFFFD0]  }
0x53: {  	s19 =	sshrl.u32 s19, $0x2;
	v5 =	vld [tilespmem:s20+$0xFFFFFFE0]  }
0x54: {  	v6 =	vld [tilespmem:s20+$0xFFFFFFF0];
	s22 =	sor.u32 $0x8000, s19  }
0x55: {  	s31 =	sand.u32 $0x1, s15;
	v4 =	vld [tilespmem:s20+$0x0];
	s21 =	sadd.s32 $0x0, s22  }
0x56: {  	v3 =	vld [tilespmem:s20+$0x10];
	s19 =	smul.u32 $0x10200, s31;
	[tilespmem:s21+$0x3870 ss:$0x81] =	vst.msk $0xffff, v0  }
0x57: {  	v2 =	vld [tilespmem:s20+$0x20];
	[tilespmem:s21+$0x810 ss:$0x81] =	vst.msk $0xffff, v1  }
0x58: {  	s19 =	sshrl.u32 s19, $0x2;
	v0 =	vld [tilespmem:s20+$0xFFFFFFC0];
	[tilespmem:s21+$0x1020 ss:$0x81] =	vst.msk $0xffff, v5;
	s20 =	sadd.s32 $0x80, s20  }
0x59: {  	s23 =	simm.s32 $0x4;
	s24 =	simm.s32 $0x8;
	s19 =	sor.u32 $0x8000, s19;
	[tilespmem:s21+$0x1830 ss:$0x81] =	vst.msk $0xffff, v6;
	v1 =	vld [tilespmem:s20+$0x30]  }
.LBB1_3:
0x5a: {  	p1 =	sne.s32 s24, $0x1FC;
	v5 =	vld [tilespmem:s20+$0xFFFFFFD0];
	[tilespmem:s21+$0x2040 ss:$0x81] =	vst.msk $0xffff, v4  }
0x5b: {  	v6 =	vld [tilespmem:s20+$0xFFFFFFE0];
	[tilespmem:s21+$0x2850 ss:$0x81] =	vst.msk $0xffff, v3  }
0x5c: {  	s25 =	sshra.s32 s23, $0x2;
	s23 =	smov.u32 s24;
	v7 =	vld [tilespmem:s20+$0xFFFFFFF0];
	[tilespmem:s21+$0x3060 ss:$0x81] =	vst.msk $0xffff, v2  }
.Ltmp3:
0x5d: {  	v4 =	vld [tilespmem:s20+$0x0];
	[tilespmem:s21+$0x0 ss:$0x81] =	vst.msk $0xffff, v0;
	s21 =	sadd.s32 s25, s22;
	(pc) =	sbr.rel @p1 .LBB1_3-.Ltmp3, $4  }
0x5e: {  	v3 =	vld [tilespmem:s20+$0x10];
	[tilespmem:s21+$0x3870 ss:$0x81] =	vst.msk $0xffff, v1  }
0x5f: {  	[tilespmem:s21+$0x810 ss:$0x81] =	vst.msk $0xffff, v5;
	v2 =	vld [tilespmem:s20+$0x20]  }
0x60: {  	v0 =	vld [tilespmem:s20+$0xFFFFFFC0];
	[tilespmem:s21+$0x1020 ss:$0x81] =	vst.msk $0xffff, v6;
	s20 =	sadd.s32 $0x80, s20  }
0x61: {  	s24 =	sadd.s32 $0x4, s24;
	v1 =	vld [tilespmem:s20+$0x30];
	[tilespmem:s21+$0x1830 ss:$0x81] =	vst.msk $0xffff, v7  }
.Ltmp4:
0x62: {  	_ = 	snop;
	(pc) =	sbr.rel .LBB1_4-.Ltmp4, $1  }
0x63: {  	_ =	sdelay $0x3  }
.LBB1_6:
0x64: {  	_ =	sfence.sel $0x180000  }
0x65: {  	s2 =	simm.s32 $0x1;
	[bflag:$0x0] =	sbarrier.arrive $0xFFFF  }
0x66: {  	s31 =	simm.s32 $0x2;
	[sflag:s2] =	ssyncpa.u1 $0x1  }
0x67: {  	[sflag:s31] =	ssyncpa.u1 $0x1  }
0x68: {  	p0 =	sne.s32 s0, $0x0;
	_ =	strace $0x9000004D  }
0x69: {  	s0 =	sadd.s32 @!p0 $0x100000, s1;
	[bflag:$0x2] =	sbarrier.arrive $0xFFFF  }
0x6a: {  	[sflag:s0] =	ssyncadd.tile.s32 @!p0 $0x1;
	_ =	shalt  }
.Lfunc_end1:
_tile_overlayer_lowered:
.L_overlay_start_2:
0x6b: {  	(tag) =	ssettag $0x2  }
0x6c: {  	s0 =	rddreg [dreg:$0x0];
	s2 =	stileid.u32  }
0x6d: {  	s1 =	rddreg [dreg:$0x1];
	p0 =	sne.s32 s2, $0x0  }
0x6e: {  	s3 =	rddreg [dreg:$0x2];
	[bflag:$0x3] =	sbarrier.arrive $0xFFFF;
	s2 =	simm.s32 @!p0 $0x1C01  }
0x6f: {  	[timem:s3], [sflag:s2] =	dma.local @!p0 [hbm:s0], s1  }
0x70: {  	s0 =	simm.s32 @!p0 $0x1  }
0x71: {  	_ =	swait.ge @!p0 [sflag:s0], s1  }
0x72: {  	s1 =	ssub.s32 @!p0 $0x0, s1;
	[sflag:s0] =	ssyncset.done @!p0 $0x0  }
0x73: {  	[sflag:s0] =	ssyncadd.s32 @!p0 s1  }
0x74: {  	[bflag:$0x3] =	sbarrier.arrive $0xFFFF  }
0x75: {  	_ =	shalt  }

// kernel: sparse-core-data-format-call.cloned.1.call-start
scs
called_computation_lowered:
.L_overlay_start_0:
0x0: {  	s2 =	sld [smem:$0x3FD9]  }
0x1: {  	s3 =	sld [smem:$0x3FFE];
	_ =	sdelay $0x1  }
0x2: {  	s1 =	srdreg.scid  }
0x3: {  	s0 =	sand.u32 $0x1, s1  }
0x4: {  	s15 =	sshll.u32 s0, $0xA;
	s2 =	sadd.s32 s3, s2  }
0x5: {  	s2 =	sadd.s32 s2, s15  }
0x6: {  	[smem:$0x3FC5] =	sst s2  }
0x7: {  	_ = 	snop  }
0x8: {  	s2 =	sld [smem:$0x3FD0];
	_ =	sdelay $0x2  }
0x9: {  	s16 =	simm.s32 $0xB;
	s4 =	simm.s32 $0x10  }
0xa: {  	[smem:s4], [sflag:s16] =	dma.local [hbm:s2], $0x1  }
0xb: {  	_ =	swait.eq [sflag:s16], $0x1  }
0xc: {  	[sflag:s16] =	ssyncset.done $0x0  }
0xd: {  	[sflag:s16] =	ssyncadd.s32 $0xFFFFFFFF  }
0xe: {  	s17 =	sld [smem:$0x11];
	(tm) =	ssettm $0x1  }
0xf: {  	s18 =	sld [smem:$0x3FFB];
	_ =	sdelay $0x3  }
0x10: {  	_ =	strace s18  }
0x11: {  	s3 =	sld [smem:$0x3FFC];
	_ =	sdelay $0x3  }
0x12: {  	_ =	strace s3  }
0x13: {  	s3 =	sld [smem:$0x3FFD];
	_ =	sdelay $0x3  }
0x14: {  	_ =	strace s3  }
0x15: {  	_ =	strace $0x8FFFFFFF  }
0x16: {  	s19 =	sld [smem:$0x3FDB];
	_ =	sdelay $0x1  }
0x17: {  	s20 =	simm.s32 $_scs_section_size  }
0x18: {  	s5 =	simm.s32 $_size__tile_overlayer_lowered;
	s6 =	simm.s32 $_tile_overlayer_lowered  }
0x19: {  	s23 =	simm.s32 $0x1BFF;
	s22 =	sshll.u32 s6, $0x1;
	s3 =	sadd.s32 s20, s19  }
0x1a: {  	s7 =	simm.s32 $0x0;
	s21 =	sshll.u32 s5, $0x1;
	s5 =	sadd.s32 s22, s3  }
0x1b: {  	[timem:s7], [sflag:s23] =	dma.local [hbm:s5], s21  }
0x1c: {  	_ =	swait.ge [sflag:s23], s21  }
0x1d: {  	s4 =	ssub.s32 $0x0, s21;
	[sflag:s23] =	ssyncset.done $0x0  }
0x1e: {  	[sflag:s23] =	ssyncadd.s32 s4;
	_ =	sdelay $0x1  }
0x1f: {  	s24 =	simm.s32 $0x1B8B  }
0x20: {  	_ =	swait.ge [sflag:s24], $0x1  }
0x21: {  	[sflag:s24] =	ssyncset.done $0x0  }
0x22: {  	s26 =	simm.s32 $0x1B8E;
	s25 =	sld [smem:$0x3FFE];
	[sflag:s24] =	ssyncadd.s32 $0xFFFFFFFF  }
0x23: {  	s27 =	simm.s32 $execute0_lowered;
	[smem:$0x3FD2] =	sst s26  }
0x24: {  	s5 =	sshll.u32 s27, $0x1;
	_ =	strace $0x80000049;
	[dreg:$0x1] =	wrdreg $0xFFFFFFFF  }
0x25: {  	s28 =	simm.s32 $_size_execute0_lowered;
	s3 =	sadd.s32 s3, s5;
	[dreg:$0x0] =	wrdreg $0x0  }
0x26: {  	s5 =	sshll.u32 s28, $0x1;
	[dreg:$0x2] =	wrdreg s3  }
0x27: {  	[dreg:$0x3] =	wrdreg s5  }
0x28: {  	[dreg:$0x4] =	wrdreg $0xC0  }
0x29: {  	_ =	task [dreg:s7], $0x5FFFF  }
0x2a: {  	[dreg:$0x1] =	wrdreg $0xFFFFFFFF  }
0x2b: {  	[dreg:$0x0] =	wrdreg $0x60  }
0x2c: {  	[dreg:$0x2] =	wrdreg s25  }
0x2d: {  	[dreg:$0x3] =	wrdreg s17  }
0x2e: {  	[dreg:$0x4] =	wrdreg $0x9  }
0x2f: {  	_ =	task.clear_ibuf [dreg:s7], $0x5FFFF;
	_ =	strace $0x90000049  }
0x30: {  	s29 =	simm.s32 $0x9;
	_ =	strace $0x8000004B  }
0x31: {  	_ =	swait.ge [sflag:s29], $0x1  }
0x32: {  	[sflag:s29] =	ssyncadd.s32 $0xFFFFFFFF  }
0x33: {  	_ =	strace $0x9000004B  }
0x34: {  	_ =	sfence  }
0x35: {  	s30 =	sld [smem:$0x0];
	_ =	sdelay $0x2  }
0x36: {  	s31 =	sshll.u32 s1, $0xD;
	s1 =	sshrl.u32 s1, $0x2  }
0x37: {  	s3 =	sand.u32 $0x4000, s31;
	s1 =	sadd.s32 s1, s30  }
0x38: {  	s0 =	sor.u32 s3, s0;
	s1 =	sshll.u32 s1, $0x11  }
0x39: {  	s0 =	sor.u32 s1, s0  }
0x3a: {  	s0 =	sadd.s32 $0x8F2B, s0  }
0x3b: {  	[sflag:s0] =	ssyncadd.remote.s32 $0x1  }
0x3c: {  	_ =	sfence.sel $0xFFFF  }
0x3d: {  	[dreg:$0x0] =	wrdreg $0xFFFFFFFF;
	(pc) =	sbr.abs _section_cstart, $3  }
0x3e: {  	[dreg:$0x1] =	wrdreg $0xFFFFFFFF  }
0x3f: {  	_ =	task.clear_ibuf [dreg:s7], $0x2FFFF;
	_ =	strace $0x9FFFFFFF  }
0x40: {  	(tm) =	ssettm $0x7FFFFFFF  }
0x41: {  	_ =	shalt  }
tec
execute0_lowered:
.L_overlay_start_1:
0x0: {  	(tag) =	ssettag $0x1  }
0x1: {  	s0 =	srdreg.scid;
	s6 =	rddreg [dreg:$0x0]  }
0x2: {  	s3 =	rddreg [dreg:$0x1];
	s1 =	sshll.u32 s0, $0x4  }
0x3: {  	s5 =	simm.s32 $0x1;
	s0 =	stileid.u32;
	s1 =	sand.u32 $0x10, s1  }
0x4: {  	s31 =	simm.s32 $0x2;
	s18 =	simm.s32 $0x0;
	s1 =	sor.u32 s0, s1  }
0x5: {  	s8 =	simm.s32 $0xC8000;
	s17 =	simm.s32 $0x0;
	s2 =	sshll.u32 s1, $0x7  }
0x6: {  	s16 =	simm.s32 $0x0;
	s9 =	simm.s32 $0x0;
	s4 =	ssub.s32 $0x1000, s2  }
0x7: {  	s10 =	simm.s32 $0x0;
	s11 =	simm.s32 $0x0;
	s30 =	sand.u32 $0xF80, s4  }
0x8: {  	s12 =	simm.s32 $0x0;
	s13 =	simm.s32 $0x0;
	p0 =	sne.s32 s30, $0x0  }
.Ltmp0:
0x9: {  	s7 =	sshrl.u32 s4, $0xC;
	s5 =	simm.s32 @!p0 $0x0;
	(pc) =	sbr.rel .LBB1_1-.Ltmp0, $4  }
0xa: {  	s15 =	simm.s32 $0x0;
	s1 =	rddreg [dreg:$0x2];
	s5 =	sadd.s32 s5, s7  }
0xb: {  	_ =	strace $0x8000004A;
	s4 =	simm.s32 $0x1;
	s5 =	smul.u32 $0x190, s5  }
0xc: {  	s6 =	sadd.s32 $0x12400, s6;
	s14 =	smov.u32 s2;
	[sflag:s4] =	ssyncpa.u1 $0x0  }
0xd: {  	[sflag:s31] =	ssyncpa.u1 $0x0;
	p0 =	por $0x0, $0x0;
	s7 =	sor.u32 $0x1, s5  }
.LBB1_4:
0xe: {  	s24 =	sshll.u32 s10, $0xC;
	s25 =	sshll.u32 s11, $0x3  }
0xf: {  	s23 =	sshra.s32 s23, $0x2;
	p1 =	sgt.s32 s10, $0xC7;
	s29 =	sshra.s32 s10, $0x1F  }
0x10: {  	s27 =	smov.u32 s11;
	s28 =	sshra.s32 s11, $0x1F;
	s24 =	sand.u32 $0xFFFF8000, s24  }
0x11: {  	s26 =	sand.u32 $0xFFFFFC00, s25;
	s22 =	sadd.s32 s23, s22;
	s28 =	sand.u32 s28, s11  }
0x12: {  	s25 =	sand.u32 $0xC00, s25;
	s23 =	sadd.s32 s26, s24;
	s24 =	smov.u32 s10  }
0x13: {  	s26 =	sand.u32 s29, s10;
	s24 =	simm.s32 @!p1 $0xC7;
	p1 =	sgt.s32 s11, $0xF80  }
0x14: {  	s29 =	sshra.s32 s9, $0x1F;
	s23 =	sshrl.u32 s23, $0xC;
	s27 =	simm.s32 @!p1 $0xF80  }
0x15: {  	p1 =	sgt.s32 s9, $0x1;
	s24 =	ssub.s32 s24, s26;
	s26 =	smov.u32 s9  }
0x16: {  	v5 =	vld [tilespmem:s20+$0xFFFFFFD0];
	[tilespmem:s21+$0x2040 ss:$0x81] =	vst.msk $0xffff, v4;
	s26 =	simm.s32 @!p1 $0x1;
	s27 =	ssub.s32 s27, s28;
	s30 =	sadd.s32 $0xFFFFFF39, s24  }
0x17: {  	v58 =	vld [tilespmem:s20+$0xFFFFFFE0];
	[tilespmem:s21+$0x2850 ss:$0x81] =	vst.msk $0xffff, v3;
	s24 =	ssub.s32 $0xC8, s24;
	s28 =	sand.u32 s29, s9;
	s29 =	sand.u32 $0x78, s11  }
0x18: {  	v59 =	vld [tilespmem:s20+$0xFFFFFFF0];
	[tilespmem:s21+$0x3060 ss:$0x81] =	vst.msk $0xffff, v2;
	p1 =	sgt.s32 s30, $0x0;
	s31 =	sadd.s32 $0xFFFFF080, s27;
	s27 =	ssub.s32 $0x1000, s27  }
0x19: {  	v60 =	vld [tilespmem:s20+$0x0];
	[tilespmem:s21+$0x0 ss:$0x81] =	vst.msk $0xffff, v0;
	s30 =	smulhi.u32 $0x147AE15, s23;
	s28 =	sxor.u32 $0xFFFFFFFF, s28;
	s25 =	sor.u32 s29, s25  }
0x1a: {  	v61 =	vld [tilespmem:s20+$0x10];
	[tilespmem:s22+$0x3870 ss:$0x81] =	vst.msk $0xffff, v1;
	s29 =	sand.u32 $0x7, s11;
	s24 =	simm.s32 @p1 $0x0;
	p1 =	sgt.s32 s31, $0x7F  }
0x1b: {  	v62 =	vld [tilespmem:s20+$0x20];
	[tilespmem:s22+$0x810 ss:$0x81] =	vst.msk $0xffff, v5;
	s26 =	sadd.s32 s28, s26;
	s31 =	sshll.u32 s10, $0x7;
	s30 =	smul.u32 $0xC8, s30  }
0x1c: {  	v63 =	vld [tilespmem:s20+$0xFFFFFFC0];
	[tilespmem:s22+$0x1020 ss:$0x81] =	vst.msk $0xffff, v58;
	s27 =	simm.s32 @p1 $0x0;
	s28 =	sand.u32 $0x380, s31;
	s31 =	smul.u32 $0x19000, s9  }
0x1d: {  	[tilespmem:s22+$0x1830 ss:$0x81] =	vst.msk $0xffff, v59;
	p1 =	sgt.s32 s26, $0x7F;
	s21 =	ssub.s32 $0x80, s26;
	s24 =	smul.u32 s27, s24  }
0x1e: {  	[tilespmem:s22+$0x2040 ss:$0x81] =	vst.msk $0xffff, v60;
	s21 =	simm.s32 @p1 $0x0;
	s25 =	sor.u32 s28, s25;
	s20 =	ssub.s32 s23, s30  }
0x1f: {  	[tilespmem:s22+$0x2850 ss:$0x81] =	vst.msk $0xffff, v61;
	s27 =	sshrl.u32 s25, $0x3;
	s28 =	sadd.s32 s3, s31;
	s21 =	smul.u32 s21, s24  }
0x20: {  	[tilespmem:s22+$0x3060 ss:$0x81] =	vst.msk $0xffff, v62;
	s30 =	sshll.u32 s29, $0x12;
	s20 =	sshll.u32 s20, $0x9;
	s23 =	sadd.s32 s27, s28  }
0x21: {  	[tilespmem:s22+$0x0 ss:$0x81] =	vst.msk $0xffff, v63;
	s31 =	sor.u32 $0x80, s30;
	s20 =	sadd.s32 s20, s23;
	s21 =	sand.u32 $0x3FFFFFFF, s21  }
0x22: {  	[hbm4b:s20+s31] =	stream.strided.scatter [tilespmem:s19], [sflag:$0x2], s21, s8, s31, $0x20;
	[tilespmem:$0x10100] =	vst v63  }
.LBB1_5:
0x23: {  	p1 =	slt.u32 s15, $0x2  }
0x24: {  	s19 =	smov.u32 s18;
	p2 =	sgt.s32 @!p1 s18, $0x1;
	s20 =	sshra.s32 @!p1 s18, $0x1F  }
0x25: {  	s21 =	sshra.s32 @!p1 s17, $0x1F;
	p2 =	por !p2, p1;
	s18 =	sand.u32 @!p1 s20, s18  }
0x26: {  	s20 =	smov.u32 s17;
	s19 =	simm.s32 @p2 $0x1;
	p2 =	sgt.s32 @!p1 s17, $0xC7  }
0x27: {  	s18 =	sxor.u32 @!p1 $0xFFFFFFFF, s18;
	s17 =	sand.u32 @!p1 s21, s17;
	p2 =	por !p2, p1  }
0x28: {  	s21 =	sshra.s32 @!p1 s16, $0x1F;
	s20 =	simm.s32 @p2 $0xC7;
	p2 =	sgt.s32 @!p1 s16, $0xF80  }
0x29: {  	s17 =	ssub.s32 @!p1 s20, s17;
	p2 =	por !p2, p1;
	s20 =	smov.u32 s16  }
0x2a: {  	s16 =	sand.u32 @!p1 s21, s16;
	s21 =	sadd.s32 @!p1 $0xFFFFFF39, s17;
	s20 =	simm.s32 @p2 $0xF80  }
0x2b: {  	s18 =	sadd.s32 @!p1 s18, s19;
	p2 =	sgt.s32 @!p1 s21, $0x0;
	s16 =	ssub.s32 @!p1 s20, s16  }
0x2c: {  	s17 =	ssub.s32 @!p1 $0xC8, s17;
	p2 =	por !p2, p1;
	s19 =	sadd.s32 @!p1 $0xFFFFF080, s16  }
0x2d: {  	s17 =	simm.s32 @!p2 $0x0;
	p2 =	sgt.s32 @!p1 s19, $0x7F  }
0x2e: {  	s16 =	ssub.s32 @!p1 $0x1000, s16;
	p2 =	por !p2, p1  }
0x2f: {  	p3 =	sgt.s32 @!p1 s18, $0x7F;
	s19 =	sadd.s32 $0x80, s12;
	s16 =	simm.s32 @!p2 $0x0  }
0x30: {  	p2 =	sgt.s32 s19, $0x80;
	s16 =	smul.u32 @!p1 s16, s17;
	s17 =	simm.s32 $0x1  }
0x31: {  	s18 =	ssub.s32 @!p1 $0x80, s18;
	p3 =	por !p3, p1;
	s17 =	simm.s32 @!p2 $0x0  }
0x32: {  	p0 =	por !p0, !p0;
	s18 =	simm.s32 @!p3 $0x0;
	s20 =	sadd.s32 s17, s13  }
0x33: {  	s21 =	smov.u32 s14;
	s17 =	sadd.s32 $0x1000, s14;
	p3 =	sgt.s32 s20, $0xC7  }
0x34: {  	s22 =	simm.s32 @!p1 $0x2;
	s19 =	simm.s32 @p2 $0x0;
	s21 =	smov.u32 @p3 s17  }
0x35: {  	s16 =	smul.u32 @!p1 s18, s16;
	s18 =	smov.u32 s9;
	p2 =	sgt.s32 s21, $0xFFF  }
0x36: {  	s9 =	smov.u32 s12;
	s21 =	smov.u32 @p2 s2;
	p2 =	sne.s32 s15, s7  }
.Ltmp1:
0x37: {  	s12 =	smov.u32 s19;
	s16 =	sand.u32 @!p1 $0x3FFFFFFF, s16;
	(pc) =	sbr.rel @!p2 .LBB1_6-.Ltmp1, $4  }
0x38: {  	s20 =	simm.s32 @p3 $0x0;
	s17 =	smov.u32 s10;
	s10 =	smov.u32 s13  }
0x39: {  	_ =	swait.ge @!p1 [sflag:s22], s16;
	s23 =	ssub.s32 @!p1 $0x0, s16;
	s16 =	smov.u32 s11  }
0x3a: {  	s11 =	smov.u32 s14;
	s13 =	smov.u32 s20;
	[sflag:s22] =	ssyncset.done @!p1 $0x0  }
0x3b: {  	s15 =	sadd.s32 $0x1, s15;
	[sflag:s22] =	ssyncadd.s32 @!p1 s23;
	s14 =	smov.u32 s21  }
.LBB1_1:
0x3c: {  	p1 =	sge.u32 s15, s5  }
0x3d: {  	s19 =	sshll.u32 @!p1 s13, $0x8;
	s20 =	sshll.u32 @!p1 s12, $0x3  }
0x3e: {  	s21 =	sshll.u32 @!p1 s13, $0x7;
	s19 =	sand.u32 @!p1 $0xFFFFF800, s19;
	s20 =	sand.u32 @!p1 $0xFFFFFC00, s20  }
0x3f: {  	s19 =	sadd.s32 @!p1 s19, s20;
	s20 =	sand.u32 @!p1 $0x300, s21  }
0x40: {  	s19 =	sor.u32 @!p1 s20, s19  }
0x41: {  	s19 =	sshrl.u32 @!p1 s19, $0x8  }
0x42: {  	s31 =	sadd.s32 $0xFFFFFFFF, s15;
	s20 =	smulhi.u32 @!p1 $0x147AE15, s19  }
0x43: {  	s22 =	sxor.u32 @!p1 $0xFFFFFFFF, s15;
	s23 =	sand.u32 @!p1 $0x78, s12;
	s24 =	smul.u32 @!p1 $0x1900, s14  }
0x44: {  	s22 =	sshll.u32 @!p1 s22, $0xE;
	s21 =	sand.u32 @!p1 $0x80, s21;
	s20 =	smul.u32 @!p1 $0xC8, s20  }
0x45: {  	s22 =	sand.u32 @!p1 $0x4000, s22;
	s21 =	sor.u32 @!p1 s23, s21;
	s23 =	sand.u32 @!p1 $0x7, s12  }
0x46: {  	s19 =	ssub.s32 @!p1 s19, s20;
	s20 =	sshrl.u32 @!p1 s21, $0x3;
	s21 =	sadd.s32 @!p1 s6, s24  }
0x47: {  	s19 =	sshll.u32 @!p1 s19, $0x5;
	s20 =	sadd.s32 @!p1 s20, s21;
	s21 =	sshll.u32 @!p1 s23, $0x12  }
0x48: {  	s19 =	sadd.s32 @!p1 s19, s20;
	s20 =	sor.u32 @!p1 $0x80, s21;
	s21 =	simm.s32 @!p1 $0xC800  }
0x49: {  	[tilespmem:s22], [sflag:$0x1] =	stream.strided.gather @!p1 [hbm4b:s19+s20], $0x4000, s21, s20, $0x38;
	[tilespmem:$0x10100] =	vst v63  }
0x4a: {  	p1 =	sge.u32 s31, s5  }
.Ltmp2:
0x4b: {  	_ = 	snop;
	(pc) =	sbr.rel @p1 .LBB1_5-.Ltmp2, $1  }
0x4c: {  	_ =	sdelay $0x3  }
0x4d: {  	s19 =	simm.s32 $0x1  }
0x4e: {  	_ =	swait.ge [sflag:s4], $0x4000;
	s19 =	simm.s32 @!p0 $0x0  }
0x4f: {  	[sflag:s4] =	ssyncset.done $0x0;
	s20 =	sshll.u32 s19, $0xE  }
0x50: {  	[sflag:s4] =	ssyncadd.s32 $0xFFFFC000;
	s20 =	sor.u32 $0x40, s20  }
0x51: {  	s19 =	smul.u32 $0x10200, s19;
	v0 =	vld [tilespmem:s20+$0x30]  }
0x52: {  	v1 =	vld [tilespmem:s20+$0xFFFFFFD0]  }
0x53: {  	s19 =	sshrl.u32 s19, $0x2;
	v5 =	vld [tilespmem:s20+$0xFFFFFFE0]  }
0x54: {  	v6 =	vld [tilespmem:s20+$0xFFFFFFF0];
	s22 =	sor.u32 $0x8000, s19  }
0x55: {  	s31 =	sand.u32 $0x1, s15;
	v4 =	vld [tilespmem:s20+$0x0];
	s21 =	sadd.s32 $0x0, s22  }
0x56: {  	v3 =	vld [tilespmem:s20+$0x10];
	s19 =	smul.u32 $0x10200, s31;
	[tilespmem:s21+$0x3870 ss:$0x81] =	vst.msk $0xffff, v0  }
0x57: {  	v2 =	vld [tilespmem:s20+$0x20];
	[tilespmem:s21+$0x810 ss:$0x81] =	vst.msk $0xffff, v1  }
0x58: {  	s19 =	sshrl.u32 s19, $0x2;
	v0 =	vld [tilespmem:s20+$0xFFFFFFC0];
	[tilespmem:s21+$0x1020 ss:$0x81] =	vst.msk $0xffff, v5;
	s20 =	sadd.s32 $0x80, s20  }
0x59: {  	s23 =	simm.s32 $0x4;
	s24 =	simm.s32 $0x8;
	s19 =	sor.u32 $0x8000, s19;
	[tilespmem:s21+$0x1830 ss:$0x81] =	vst.msk $0xffff, v6;
	v1 =	vld [tilespmem:s20+$0x30]  }
.LBB1_3:
0x5a: {  	p1 =	sne.s32 s24, $0x1FC;
	v5 =	vld [tilespmem:s20+$0xFFFFFFD0];
	[tilespmem:s21+$0x2040 ss:$0x81] =	vst.msk $0xffff, v4  }
0x5b: {  	v6 =	vld [tilespmem:s20+$0xFFFFFFE0];
	[tilespmem:s21+$0x2850 ss:$0x81] =	vst.msk $0xffff, v3  }
0x5c: {  	s25 =	sshra.s32 s23, $0x2;
	s23 =	smov.u32 s24;
	v7 =	vld [tilespmem:s20+$0xFFFFFFF0];
	[tilespmem:s21+$0x3060 ss:$0x81] =	vst.msk $0xffff, v2  }
.Ltmp3:
0x5d: {  	v4 =	vld [tilespmem:s20+$0x0];
	[tilespmem:s21+$0x0 ss:$0x81] =	vst.msk $0xffff, v0;
	s21 =	sadd.s32 s25, s22;
	(pc) =	sbr.rel @p1 .LBB1_3-.Ltmp3, $4  }
0x5e: {  	v3 =	vld [tilespmem:s20+$0x10];
	[tilespmem:s21+$0x3870 ss:$0x81] =	vst.msk $0xffff, v1  }
0x5f: {  	[tilespmem:s21+$0x810 ss:$0x81] =	vst.msk $0xffff, v5;
	v2 =	vld [tilespmem:s20+$0x20]  }
0x60: {  	v0 =	vld [tilespmem:s20+$0xFFFFFFC0];
	[tilespmem:s21+$0x1020 ss:$0x81] =	vst.msk $0xffff, v6;
	s20 =	sadd.s32 $0x80, s20  }
0x61: {  	s24 =	sadd.s32 $0x4, s24;
	v1 =	vld [tilespmem:s20+$0x30];
	[tilespmem:s21+$0x1830 ss:$0x81] =	vst.msk $0xffff, v7  }
.Ltmp4:
0x62: {  	_ = 	snop;
	(pc) =	sbr.rel .LBB1_4-.Ltmp4, $1  }
0x63: {  	_ =	sdelay $0x3  }
.LBB1_6:
0x64: {  	_ =	sfence.sel $0x180000  }
0x65: {  	s2 =	simm.s32 $0x1;
	[bflag:$0x0] =	sbarrier.arrive $0xFFFF  }
0x66: {  	s31 =	simm.s32 $0x2;
	[sflag:s2] =	ssyncpa.u1 $0x1  }
0x67: {  	[sflag:s31] =	ssyncpa.u1 $0x1  }
0x68: {  	p0 =	sne.s32 s0, $0x0;
	_ =	strace $0x9000004A  }
0x69: {  	s0 =	sadd.s32 @!p0 $0x100000, s1;
	[bflag:$0x2] =	sbarrier.arrive $0xFFFF  }
0x6a: {  	[sflag:s0] =	ssyncadd.tile.s32 @!p0 $0x1;
	_ =	shalt  }
.Lfunc_end1:
_tile_overlayer_lowered:
.L_overlay_start_2:
0x6b: {  	(tag) =	ssettag $0x2  }
0x6c: {  	s0 =	rddreg [dreg:$0x0];
	s2 =	stileid.u32  }
0x6d: {  	s1 =	rddreg [dreg:$0x1];
	p0 =	sne.s32 s2, $0x0  }
0x6e: {  	s3 =	rddreg [dreg:$0x2];
	[bflag:$0x3] =	sbarrier.arrive $0xFFFF;
	s2 =	simm.s32 @!p0 $0x1C01  }
0x6f: {  	[timem:s3], [sflag:s2] =	dma.local @!p0 [hbm:s0], s1  }
0x70: {  	s0 =	simm.s32 @!p0 $0x1  }
0x71: {  	_ =	swait.ge @!p0 [sflag:s0], s1  }
0x72: {  	s1 =	ssub.s32 @!p0 $0x0, s1;
	[sflag:s0] =	ssyncset.done @!p0 $0x0  }
0x73: {  	[sflag:s0] =	ssyncadd.s32 @!p0 s1  }
0x74: {  	[bflag:$0x3] =	sbarrier.arrive $0xFFFF  }
0x75: {  	_ =	shalt  }

</sc_bundles>
